<compile_context>
chip_gen: v7x
topology: tpu7x:2x2x1
jax: 0.10.2.dev20260603
libtpu: 0.0.44.dev20260713+nightly
codegen_flags: <defaults>
</compile_context>

<pallas_src>
import functools

import jax
import jax.numpy as jnp
from jax import lax
from jax.experimental import pallas as pl
from jax.experimental.pallas import tpu as pltpu
from jax.experimental.pallas import tpu_sc as plsc


def _hrel_table(h, weight, w_comp):
    N, D = h.shape
    B, _, O = weight.shape
    R = w_comp.shape[0]
    BN = 2000
    NB = N // BN

    def body(wc_ref, w_ref, h_ref, out_ref):
        acc = w_ref[0] * wc_ref[0, 0, 0]
        for b in range(1, B):
            acc = acc + w_ref[b] * wc_ref[0, 0, b]
        out_ref[...] = jnp.dot(h_ref[...], acc,
                               preferred_element_type=jnp.float32)

    return pl.pallas_call(
        body,
        grid=(NB, R),
        in_specs=[
            pl.BlockSpec((1, 1, B), lambda i, r: (r, 0, 0)),
            pl.BlockSpec((B, D, O), lambda i, r: (0, 0, 0)),
            pl.BlockSpec((BN, D), lambda i, r: (i, 0)),
        ],
        out_specs=pl.BlockSpec((BN, O), lambda i, r: (r * NB + i, 0)),
        out_shape=jax.ShapeDtypeStruct((R * N, O), jnp.float32),
    )(w_comp.reshape(R, 1, B), weight, h)


def _sc_gather_scatter(hrel, gidxr, dstr, N_pad, O):
    info = plsc.get_sparse_core_info()
    NC, NS = info.num_cores, info.num_subcores
    _, NSTEPS, CH = gidxr.shape
    RPT = N_pad // NS

    mesh = plsc.VectorSubcoreMesh(core_axis_name="c", subcore_axis_name="s")

    @functools.partial(
        pl.kernel,
        mesh=mesh,
        out_type=jax.ShapeDtypeStruct((NC, N_pad, O), jnp.float32),
        scratch_types=[
            pltpu.VMEM((NSTEPS, CH), jnp.int32),
            pltpu.VMEM((2, 1, CH), jnp.int32),
            pltpu.VMEM((CH, O), jnp.float32),
            pltpu.VMEM((CH, O), jnp.float32),
            pltpu.VMEM_SHARED((N_pad, O), jnp.float32),
            pltpu.SemaphoreType.DMA,
            pltpu.SemaphoreType.DMA,
            pltpu.SemaphoreType.DMA,
            pltpu.SemaphoreType.DMA,
        ],
    )
    def sc_body(hrel_hbm, gidx_hbm, dst_hbm, out_hbm,
                idx_v, dst_b, rows_0, rows_1, acc, sem0, sem1, semd0, semd1):
        rows_v = rows_0
        cid = lax.axis_index("c")
        sid = lax.axis_index("s")
        wid = cid * NS + sid

        pltpu.sync_copy(gidx_hbm.at[wid], idx_v)

        def zr(i, carry):
            for j in range(O // 16):
                rows_v[i, pl.ds(j * 16, 16)] = jnp.zeros((16,), jnp.float32)
            return carry
        lax.fori_loop(0, CH, zr, 0)
        base = sid * RPT
        nfull = RPT // CH
        for k in range(nfull):
            pltpu.sync_copy(rows_v, acc.at[pl.ds(base + k * CH, CH)])
        rem = RPT - nfull * CH
        if rem:
            pltpu.sync_copy(rows_v.at[pl.ds(0, rem)],
                            acc.at[pl.ds(base + nfull * CH, rem)])
        plsc.subcore_barrier()

        bufs = (rows_0, rows_1)
        sems = (sem0, sem1)
        dsems = (semd0, semd1)

        def start_g(s, k):
            pltpu.async_copy(hrel_hbm.at[idx_v.at[s]], bufs[k], sems[k])
            pltpu.async_copy(dst_hbm.at[wid, s], dst_b.at[k], dsems[k])

        def wait_g(s, k):
            pltpu.make_async_copy(hrel_hbm.at[idx_v.at[s]], bufs[k],
                                  sems[k]).wait()
            pltpu.make_async_copy(dst_hbm.at[wid, s], dst_b.at[k],
                                  dsems[k]).wait()

        def scat(s, k):
            pltpu.sync_copy(bufs[k], acc.at[dst_b.at[k, 0]], add=True)

        npair = (NSTEPS - 1) // 2 if NSTEPS % 2 else (NSTEPS - 2) // 2
        start_g(0, 0)

        def pair(i, carry):
            s = 2 * i
            start_g(s + 1, 1)
            wait_g(s, 0)
            scat(s, 0)
            start_g(s + 2, 0)
            wait_g(s + 1, 1)
            scat(s + 1, 1)
            return carry
        lax.fori_loop(0, npair, pair, 0)
        if NSTEPS % 2:
            wait_g(NSTEPS - 1, 0)
            scat(NSTEPS - 1, 0)
        else:
            start_g(NSTEPS - 1, 1)
            wait_g(NSTEPS - 2, 0)
            scat(NSTEPS - 2, 0)
            wait_g(NSTEPS - 1, 1)
            scat(NSTEPS - 1, 1)
        plsc.subcore_barrier()

        pltpu.sync_copy(acc.at[pl.ds(base, RPT)],
                        out_hbm.at[cid, pl.ds(base, RPT)])

    return sc_body(hrel, gidxr, dstr)


def _edge_prep(src, et, dst, N, N_pad, E_pad):
    E = src.shape[0]
    W = 512
    rows, rows_p = E // W, E_pad // W
    extra = rows_p - rows
    npn = N_pad - N

    def body(s_ref, t_ref, d_ref, gi_ref, do_ref):
        z = jnp.zeros((extra, W), jnp.int32)
        s = jnp.concatenate([s_ref[...], z], 0)
        t = jnp.concatenate([t_ref[...], z], 0)
        dd = jnp.concatenate([d_ref[...], z], 0)
        f = (lax.broadcasted_iota(jnp.int32, (rows_p, W), 0) * W
             + lax.broadcasted_iota(jnp.int32, (rows_p, W), 1))
        real = f < E
        gi_ref[...] = jnp.where(real, t * N + s, (f - E) % N)
        do_ref[...] = jnp.where(real, dd, N + (f - E) % npn)

    return pl.pallas_call(
        body,
        out_shape=[
            jax.ShapeDtypeStruct((rows_p, W), jnp.int32),
            jax.ShapeDtypeStruct((rows_p, W), jnp.int32),
        ],
    )(src.reshape(rows, W), et.reshape(rows, W), dst.reshape(rows, W))


def _combine(parts, h, self_loop_weight):
    N, D = h.shape
    O = self_loop_weight.shape[1]
    BN = 2000

    def body(p_ref, h_ref, sw_ref, out_ref):
        out_ref[...] = (p_ref[0] + p_ref[1]
                        + jnp.dot(h_ref[...], sw_ref[...],
                                  preferred_element_type=jnp.float32))

    return pl.pallas_call(
        body,
        grid=(N // BN,),
        in_specs=[
            pl.BlockSpec((2, BN, O), lambda i: (0, i, 0)),
            pl.BlockSpec((BN, D), lambda i: (i, 0)),
            pl.BlockSpec((D, O), lambda i: (0, 0)),
        ],
        out_specs=pl.BlockSpec((BN, O), lambda i: (i, 0)),
        out_shape=jax.ShapeDtypeStruct((N, O), jnp.float32),
    )(parts, h, self_loop_weight)


def kernel(h, edge_index, edge_type, weight, w_comp, self_loop_weight):
    N, D = h.shape
    O = weight.shape[2]
    E = edge_type.shape[0]

    hrel = _hrel_table(h, weight, w_comp)

    NW = 32
    CH = 128
    T = -(-E // NW)
    T_pad = -(-T // CH) * CH
    pad = NW * T_pad - E
    NSTEPS = T_pad // CH
    src = edge_index[0].astype(jnp.int32)
    dst = edge_index[1].astype(jnp.int32)
    et = edge_type.astype(jnp.int32)
    N_pad = -(-(N + 1) // 128) * 128
    E_pad = NW * T_pad
    gidx, dstp = _edge_prep(src, et, dst, N, N_pad, E_pad)
    gidxr = gidx.reshape(NW, NSTEPS, CH)
    dstr = dstp.reshape(NW, NSTEPS, 1, CH)

    parts = _sc_gather_scatter(hrel, gidxr, dstr, N_pad, O)
    return _combine(parts, h, self_loop_weight)

# --- scband reference (transcript-rebuilt; emitter-appended) ---
"""Pipeline reference for scband-rgcnbasis-layer-45732811768294 (READ-ONLY COPY).

The authoritative reference and input builder live on the scoring server;
editing this copy changes nothing except your own understanding.
"""

import jax, jax.numpy as jnp
import numpy as np

N = 10000      # num nodes
E = 320000     # num edges
D = 128        # inp_dim
O = 128        # out_dim
R = 32         # num_rels
B = 8          # num_bases


def setup_inputs(seed: int = 0) -> dict:
    key = jax.random.key(seed)
    ks = jax.random.split(key, 6)
    h = jax.random.normal(ks[0], (N, D), dtype=jnp.float32)
    edge_index = jax.random.randint(ks[1], (2, E), 0, N)
    edge_type = jax.random.randint(ks[2], (E,), 0, R)
    weight = jax.random.normal(ks[3], (B, D, O), dtype=jnp.float32) * 0.05
    w_comp = jax.random.normal(ks[4], (R, B), dtype=jnp.float32) * 0.1
    self_loop_weight = jax.random.normal(ks[5], (D, O), dtype=jnp.float32) * 0.05
    return {
        'h': h,
        'edge_index': edge_index,
        'edge_type': edge_type,
        'weight': weight,
        'w_comp': w_comp,
        'self_loop_weight': self_loop_weight,
    }


def reference(h, edge_index, edge_type, weight, w_comp, self_loop_weight):
    # RGCNBasisLayer.propagate with: is_input_layer=False, add_transe_emb=False,
    # has_attn=False, has_kg=True, edge_dropout=Identity, SumAggregator, no bias,
    # no activation, no dropout.
    num_bases = weight.shape[0]
    inp_dim = h.shape[1]
    n_nodes = h.shape[0]
    # weight = matmul(w_comp, weight.view(num_bases, -1)).view(num_rels, inp, out)
    W = jnp.matmul(w_comp, weight.reshape(num_bases, inp_dim * weight.shape[2]))
    W = W.reshape(w_comp.shape[0], inp_dim, weight.shape[2])  # [R, D, O]
    # per-edge msg: msg[e] = w[e] * (x[src[e]] @ W[type[e]]); w[e]=1 (no edge dropout)
    # computed as all-(node,relation) transform then gather -- identical math,
    # avoids materializing [E, D, O] gathered weight tensor.
    h_rel = jnp.einsum('nd,rdo->nro', h, W)          # [N, R, O]
    src = edge_index[0]
    dst = edge_index[1]
    msg = h_rel[src, edge_type]                       # gather -> [E, O]
    # has_attn=False -> alpha = ones([E, 1]); has_kg=True -> no mask
    alpha = jnp.ones((msg.shape[0], 1), dtype=msg.dtype)
    # SumAggregator: nei_msg = sum_e alpha_e * msg_e grouped by dst (scatter-add)
    nei_msg = jax.ops.segment_sum(alpha * msg, dst, num_segments=n_nodes)  # [N, O]
    # curr_emb = mm(x, self_loop_weight); combined additively by aggregator
    curr_emb = jnp.matmul(h, self_loop_weight)        # [N, O]
    node_repr = nei_msg + curr_emb
    # bias=None, activation=None, dropout=None -> node_repr unchanged
    return node_repr

if __name__ == "__main__":
    import jax
    _d = setup_inputs()
    print(jax.jit(kernel)(*tuple(_d.values())))

</pallas_src>

<mosaic_0001>
#map = affine_map<(d0, d1) -> (0, 0)>
#map1 = affine_map<(d0, d1) -> (0, 0, 0)>
#map2 = affine_map<(d0, d1) -> (0, 0, 0, 0)>
module attributes {stable_mosaic.version = 14 : i64} {
  func.func @sc_body(%arg0: i32, %arg1: i32, %arg2: memref<320000x128xf32, #tpu.memory_space<hbm>>, %arg3: memref<32x79x128xi32, #tpu.memory_space<hbm>>, %arg4: memref<32x79x1x128xi32, #tpu.memory_space<hbm>>, %arg5: memref<2x10112x128xf32, #tpu.memory_space<hbm>>, %arg6: memref<79x128xi32, #tpu.memory_space<vmem>>, %arg7: memref<2x1x128xi32, #tpu.memory_space<vmem>>, %arg8: memref<128x128xf32, #tpu.memory_space<vmem>>, %arg9: memref<128x128xf32, #tpu.memory_space<vmem>>, %arg10: memref<10112x128xf32, #tpu.memory_space<vmem_shared>>, %arg11: memref<!tpu.dma_semaphore, #tpu.memory_space<semaphore_mem>>, %arg12: memref<!tpu.dma_semaphore, #tpu.memory_space<semaphore_mem>>, %arg13: memref<!tpu.dma_semaphore, #tpu.memory_space<semaphore_mem>>, %arg14: memref<!tpu.dma_semaphore, #tpu.memory_space<semaphore_mem>>) attributes {dimension_semantics = [#tpu.dimension_semantics<core_parallel>, #tpu.dimension_semantics<subcore_parallel>], iteration_bounds = array<i64: 2, 16>, scalar_prefetch = 0 : i64, scratch_operands = 9 : i64, tpu.core_type = #tpu.core_type<sc_vector_subcore>, window_params = [{transform_indices = #map}, {transform_indices = #map1}, {transform_indices = #map2}, {transform_indices = #map1}]} {
    %mul3A = arith.constant 16 : i32
    %mul3A_0 = arith.muli %arg0, %mul3A : i32
    %add3A = arith.addi %mul3A_0, %arg1 : i32
    "tpu.region"() ({
      %run_scoped3A_74 = tpu.sem_alloc : memref<!tpu.dma_semaphore, #tpu.memory_space<semaphore_mem>>
      %dma_start3A_75 = arith.constant 0 : i32
      %dma_start3A_76 = arith.constant 0 : i32
      %dma_start3A_77 = tpu.memref_slice %arg3[%add3A, %dma_start3A_75, %dma_start3A_76] : memref<32x79x128xi32, #tpu.memory_space<hbm>> -> memref<1x79x128xi32, #tpu.memory_space<hbm>>
      %dma_start3A_78 = tpu.memref_squeeze %dma_start3A_77 : memref<1x79x128xi32, #tpu.memory_space<hbm>> -> memref<79x128xi32, #tpu.memory_space<hbm>>
      %dma_start3A_79 = arith.constant 0 : i32
      %dma_start3A_80 = arith.constant 0 : i32
      %dma_start3A_81 = tpu.memref_slice %arg3[%add3A, %dma_start3A_79, %dma_start3A_80] : memref<32x79x128xi32, #tpu.memory_space<hbm>> -> memref<1x79x128xi32, #tpu.memory_space<hbm>>
      %dma_start3A_82 = tpu.memref_squeeze %dma_start3A_81 : memref<1x79x128xi32, #tpu.memory_space<hbm>> -> memref<79x128xi32, #tpu.memory_space<hbm>>
      tpu.enqueue_dma source(%dma_start3A_82 : memref<79x128xi32, #tpu.memory_space<hbm>>) target(%arg6 : memref<79x128xi32, #tpu.memory_space<vmem>>) target_semaphore(%run_scoped3A_74 : memref<!tpu.dma_semaphore, #tpu.memory_space<semaphore_mem>>)
      %dma_wait3A_83 = arith.constant 0 : i32
      %dma_wait3A_84 = arith.constant 0 : i32
      %dma_wait3A_85 = tpu.memref_slice %arg3[%add3A, %dma_wait3A_83, %dma_wait3A_84] : memref<32x79x128xi32, #tpu.memory_space<hbm>> -> memref<1x79x128xi32, #tpu.memory_space<hbm>>
      %dma_wait3A_86 = tpu.memref_squeeze %dma_wait3A_85 : memref<1x79x128xi32, #tpu.memory_space<hbm>> -> memref<79x128xi32, #tpu.memory_space<hbm>>
      %dma_wait3A_87 = arith.constant 0 : i32
      %dma_wait3A_88 = arith.constant 0 : i32
      %dma_wait3A_89 = tpu.memref_slice %arg3[%add3A, %dma_wait3A_87, %dma_wait3A_88] : memref<32x79x128xi32, #tpu.memory_space<hbm>> -> memref<1x79x128xi32, #tpu.memory_space<hbm>>
      %dma_wait3A_90 = tpu.memref_squeeze %dma_wait3A_89 : memref<1x79x128xi32, #tpu.memory_space<hbm>> -> memref<79x128xi32, #tpu.memory_space<hbm>>
      tpu.wait_dma2 semaphore(%run_scoped3A_74 : memref<!tpu.dma_semaphore, #tpu.memory_space<semaphore_mem>>) src(%dma_wait3A_90 : memref<79x128xi32, #tpu.memory_space<hbm>>) dst(%arg6 : memref<79x128xi32, #tpu.memory_space<vmem>>)
      tpu.yield
    }) : () -> ()
    %scan3A = arith.constant 0 : i32
    %scan3A_1 = arith.constant 0 : i32
    %scan3A_2 = arith.constant 128 : i32
    %scan3A_3 = arith.addi %scan3A_1, %scan3A_2 : i32
    %scan3A_4 = arith.constant 1 : i32
    scf.for %scan3A_74 = %scan3A_1 to %scan3A_3 step %scan3A_4  : i32 {
      %broadcast_in_dim3A = arith.constant 0.000000e+00 : f32
      %broadcast_in_dim3A_75 = vector.broadcast %broadcast_in_dim3A : f32 to vector<16xf32>
      %swap3A = arith.index_cast %scan3A_74 : i32 to index
      %swap3A_76 = arith.constant 0 : index
      %swap3A_77 = tpu.vector_load %arg8[%swap3A, %swap3A_76] {strides = array<i32>} : memref<128x128xf32, #tpu.memory_space<vmem>>, vector<1x16xf32>,
      %swap3A_78 = vector.shape_cast %swap3A_77 : vector<1x16xf32> to vector<16xf32>
      %swap3A_79 = vector.shape_cast %broadcast_in_dim3A_75 : vector<16xf32> to vector<1x16xf32>
      tpu.vector_store %arg8[%swap3A, %swap3A_76], %swap3A_79 {strides = array<i32>} : memref<128x128xf32, #tpu.memory_space<vmem>>, vector<1x16xf32>,
      %broadcast_in_dim3A_80 = arith.constant 0.000000e+00 : f32
      %broadcast_in_dim3A_81 = vector.broadcast %broadcast_in_dim3A_80 : f32 to vector<16xf32>
      %swap3A_82 = arith.index_cast %scan3A_74 : i32 to index
      %swap3A_83 = arith.constant 16 : index
      %swap3A_84 = tpu.vector_load %arg8[%swap3A_82, %swap3A_83] {strides = array<i32>} : memref<128x128xf32, #tpu.memory_space<vmem>>, vector<1x16xf32>,
      %swap3A_85 = vector.shape_cast %swap3A_84 : vector<1x16xf32> to vector<16xf32>
      %swap3A_86 = vector.shape_cast %broadcast_in_dim3A_81 : vector<16xf32> to vector<1x16xf32>
      tpu.vector_store %arg8[%swap3A_82, %swap3A_83], %swap3A_86 {strides = array<i32>} : memref<128x128xf32, #tpu.memory_space<vmem>>, vector<1x16xf32>,
      %broadcast_in_dim3A_87 = arith.constant 0.000000e+00 : f32
      %broadcast_in_dim3A_88 = vector.broadcast %broadcast_in_dim3A_87 : f32 to vector<16xf32>
      %swap3A_89 = arith.index_cast %scan3A_74 : i32 to index
      %swap3A_90 = arith.constant 32 : index
      %swap3A_91 = tpu.vector_load %arg8[%swap3A_89, %swap3A_90] {strides = array<i32>} : memref<128x128xf32, #tpu.memory_space<vmem>>, vector<1x16xf32>,
      %swap3A_92 = vector.shape_cast %swap3A_91 : vector<1x16xf32> to vector<16xf32>
      %swap3A_93 = vector.shape_cast %broadcast_in_dim3A_88 : vector<16xf32> to vector<1x16xf32>
      tpu.vector_store %arg8[%swap3A_89, %swap3A_90], %swap3A_93 {strides = array<i32>} : memref<128x128xf32, #tpu.memory_space<vmem>>, vector<1x16xf32>,
      %broadcast_in_dim3A_94 = arith.constant 0.000000e+00 : f32
      %broadcast_in_dim3A_95 = vector.broadcast %broadcast_in_dim3A_94 : f32 to vector<16xf32>
      %swap3A_96 = arith.index_cast %scan3A_74 : i32 to index
      %swap3A_97 = arith.constant 48 : index
      %swap3A_98 = tpu.vector_load %arg8[%swap3A_96, %swap3A_97] {strides = array<i32>} : memref<128x128xf32, #tpu.memory_space<vmem>>, vector<1x16xf32>,
      %swap3A_99 = vector.shape_cast %swap3A_98 : vector<1x16xf32> to vector<16xf32>
      %swap3A_100 = vector.shape_cast %broadcast_in_dim3A_95 : vector<16xf32> to vector<1x16xf32>
      tpu.vector_store %arg8[%swap3A_96, %swap3A_97], %swap3A_100 {strides = array<i32>} : memref<128x128xf32, #tpu.memory_space<vmem>>, vector<1x16xf32>,
      %broadcast_in_dim3A_101 = arith.constant 0.000000e+00 : f32
      %broadcast_in_dim3A_102 = vector.broadcast %broadcast_in_dim3A_101 : f32 to vector<16xf32>
      %swap3A_103 = arith.index_cast %scan3A_74 : i32 to index
      %swap3A_104 = arith.constant 64 : index
      %swap3A_105 = tpu.vector_load %arg8[%swap3A_103, %swap3A_104] {strides = array<i32>} : memref<128x128xf32, #tpu.memory_space<vmem>>, vector<1x16xf32>,
      %swap3A_106 = vector.shape_cast %swap3A_105 : vector<1x16xf32> to vector<16xf32>
      %swap3A_107 = vector.shape_cast %broadcast_in_dim3A_102 : vector<16xf32> to vector<1x16xf32>
      tpu.vector_store %arg8[%swap3A_103, %swap3A_104], %swap3A_107 {strides = array<i32>} : memref<128x128xf32, #tpu.memory_space<vmem>>, vector<1x16xf32>,
      %broadcast_in_dim3A_108 = arith.constant 0.000000e+00 : f32
      %broadcast_in_dim3A_109 = vector.broadcast %broadcast_in_dim3A_108 : f32 to vector<16xf32>
      %swap3A_110 = arith.index_cast %scan3A_74 : i32 to index
      %swap3A_111 = arith.constant 80 : index
      %swap3A_112 = tpu.vector_load %arg8[%swap3A_110, %swap3A_111] {strides = array<i32>} : memref<128x128xf32, #tpu.memory_space<vmem>>, vector<1x16xf32>,
      %swap3A_113 = vector.shape_cast %swap3A_112 : vector<1x16xf32> to vector<16xf32>
      %swap3A_114 = vector.shape_cast %broadcast_in_dim3A_109 : vector<16xf32> to vector<1x16xf32>
      tpu.vector_store %arg8[%swap3A_110, %swap3A_111], %swap3A_114 {strides = array<i32>} : memref<128x128xf32, #tpu.memory_space<vmem>>, vector<1x16xf32>,
      %broadcast_in_dim3A_115 = arith.constant 0.000000e+00 : f32
      %broadcast_in_dim3A_116 = vector.broadcast %broadcast_in_dim3A_115 : f32 to vector<16xf32>
      %swap3A_117 = arith.index_cast %scan3A_74 : i32 to index
      %swap3A_118 = arith.constant 96 : index
      %swap3A_119 = tpu.vector_load %arg8[%swap3A_117, %swap3A_118] {strides = array<i32>} : memref<128x128xf32, #tpu.memory_space<vmem>>, vector<1x16xf32>,
      %swap3A_120 = vector.shape_cast %swap3A_119 : vector<1x16xf32> to vector<16xf32>
      %swap3A_121 = vector.shape_cast %broadcast_in_dim3A_116 : vector<16xf32> to vector<1x16xf32>
      tpu.vector_store %arg8[%swap3A_117, %swap3A_118], %swap3A_121 {strides = array<i32>} : memref<128x128xf32, #tpu.memory_space<vmem>>, vector<1x16xf32>,
      %broadcast_in_dim3A_122 = arith.constant 0.000000e+00 : f32
      %broadcast_in_dim3A_123 = vector.broadcast %broadcast_in_dim3A_122 : f32 to vector<16xf32>
      %swap3A_124 = arith.index_cast %scan3A_74 : i32 to index
      %swap3A_125 = arith.constant 112 : index
      %swap3A_126 = tpu.vector_load %arg8[%swap3A_124, %swap3A_125] {strides = array<i32>} : memref<128x128xf32, #tpu.memory_space<vmem>>, vector<1x16xf32>,
      %swap3A_127 = vector.shape_cast %swap3A_126 : vector<1x16xf32> to vector<16xf32>
      %swap3A_128 = vector.shape_cast %broadcast_in_dim3A_123 : vector<16xf32> to vector<1x16xf32>
      tpu.vector_store %arg8[%swap3A_124, %swap3A_125], %swap3A_128 {strides = array<i32>} : memref<128x128xf32, #tpu.memory_space<vmem>>, vector<1x16xf32>,
    }
    %scan3A_5 = arith.constant 128 : i32
    %mul3A_6 = arith.constant 632 : i32
    %mul3A_7 = arith.muli %arg1, %mul3A_6 : i32
    %add3A_8 = arith.constant 0 : i32
    %add3A_9 = arith.addi %mul3A_7, %add3A_8 : i32
    "tpu.region"() ({
      %run_scoped3A_74 = tpu.sem_alloc : memref<!tpu.dma_semaphore, #tpu.memory_space<semaphore_mem>>
      %dma_start3A_75 = arith.constant 0 : i32
      %dma_start3A_76 = tpu.memref_slice %arg10[%add3A_9, %dma_start3A_75] : memref<10112x128xf32, #tpu.memory_space<vmem_shared>> -> memref<128x128xf32, #tpu.memory_space<vmem_shared>>
      %dma_start3A_77 = arith.constant 0 : i32
      %dma_start3A_78 = tpu.memref_slice %arg10[%add3A_9, %dma_start3A_77] : memref<10112x128xf32, #tpu.memory_space<vmem_shared>> -> memref<128x128xf32, #tpu.memory_space<vmem_shared>>
      tpu.enqueue_dma source(%arg8 : memref<128x128xf32, #tpu.memory_space<vmem>>) target(%dma_start3A_78 : memref<128x128xf32, #tpu.memory_space<vmem_shared>>) target_semaphore(%run_scoped3A_74 : memref<!tpu.dma_semaphore, #tpu.memory_space<semaphore_mem>>)
      %dma_wait3A_79 = arith.constant 0 : i32
      %dma_wait3A_80 = tpu.memref_slice %arg10[%add3A_9, %dma_wait3A_79] : memref<10112x128xf32, #tpu.memory_space<vmem_shared>> -> memref<128x128xf32, #tpu.memory_space<vmem_shared>>
      %dma_wait3A_81 = arith.constant 0 : i32
      %dma_wait3A_82 = tpu.memref_slice %arg10[%add3A_9, %dma_wait3A_81] : memref<10112x128xf32, #tpu.memory_space<vmem_shared>> -> memref<128x128xf32, #tpu.memory_space<vmem_shared>>
      tpu.wait_dma2 semaphore(%run_scoped3A_74 : memref<!tpu.dma_semaphore, #tpu.memory_space<semaphore_mem>>) src(%arg8 : memref<128x128xf32, #tpu.memory_space<vmem>>) dst(%dma_wait3A_82 : memref<128x128xf32, #tpu.memory_space<vmem_shared>>)
      tpu.yield
    }) : () -> ()
    %add3A_10 = arith.constant 128 : i32
    %add3A_11 = arith.addi %mul3A_7, %add3A_10 : i32
    "tpu.region"() ({
      %run_scoped3A_74 = tpu.sem_alloc : memref<!tpu.dma_semaphore, #tpu.memory_space<semaphore_mem>>
      %dma_start3A_75 = arith.constant 0 : i32
      %dma_start3A_76 = tpu.memref_slice %arg10[%add3A_11, %dma_start3A_75] : memref<10112x128xf32, #tpu.memory_space<vmem_shared>> -> memref<128x128xf32, #tpu.memory_space<vmem_shared>>
      %dma_start3A_77 = arith.constant 0 : i32
      %dma_start3A_78 = tpu.memref_slice %arg10[%add3A_11, %dma_start3A_77] : memref<10112x128xf32, #tpu.memory_space<vmem_shared>> -> memref<128x128xf32, #tpu.memory_space<vmem_shared>>
      tpu.enqueue_dma source(%arg8 : memref<128x128xf32, #tpu.memory_space<vmem>>) target(%dma_start3A_78 : memref<128x128xf32, #tpu.memory_space<vmem_shared>>) target_semaphore(%run_scoped3A_74 : memref<!tpu.dma_semaphore, #tpu.memory_space<semaphore_mem>>)
      %dma_wait3A_79 = arith.constant 0 : i32
      %dma_wait3A_80 = tpu.memref_slice %arg10[%add3A_11, %dma_wait3A_79] : memref<10112x128xf32, #tpu.memory_space<vmem_shared>> -> memref<128x128xf32, #tpu.memory_space<vmem_shared>>
      %dma_wait3A_81 = arith.constant 0 : i32
      %dma_wait3A_82 = tpu.memref_slice %arg10[%add3A_11, %dma_wait3A_81] : memref<10112x128xf32, #tpu.memory_space<vmem_shared>> -> memref<128x128xf32, #tpu.memory_space<vmem_shared>>
      tpu.wait_dma2 semaphore(%run_scoped3A_74 : memref<!tpu.dma_semaphore, #tpu.memory_space<semaphore_mem>>) src(%arg8 : memref<128x128xf32, #tpu.memory_space<vmem>>) dst(%dma_wait3A_82 : memref<128x128xf32, #tpu.memory_space<vmem_shared>>)
      tpu.yield
    }) : () -> ()
    %add3A_12 = arith.constant 256 : i32
    %add3A_13 = arith.addi %mul3A_7, %add3A_12 : i32
    "tpu.region"() ({
      %run_scoped3A_74 = tpu.sem_alloc : memref<!tpu.dma_semaphore, #tpu.memory_space<semaphore_mem>>
      %dma_start3A_75 = arith.constant 0 : i32
      %dma_start3A_76 = tpu.memref_slice %arg10[%add3A_13, %dma_start3A_75] : memref<10112x128xf32, #tpu.memory_space<vmem_shared>> -> memref<128x128xf32, #tpu.memory_space<vmem_shared>>
      %dma_start3A_77 = arith.constant 0 : i32
      %dma_start3A_78 = tpu.memref_slice %arg10[%add3A_13, %dma_start3A_77] : memref<10112x128xf32, #tpu.memory_space<vmem_shared>> -> memref<128x128xf32, #tpu.memory_space<vmem_shared>>
      tpu.enqueue_dma source(%arg8 : memref<128x128xf32, #tpu.memory_space<vmem>>) target(%dma_start3A_78 : memref<128x128xf32, #tpu.memory_space<vmem_shared>>) target_semaphore(%run_scoped3A_74 : memref<!tpu.dma_semaphore, #tpu.memory_space<semaphore_mem>>)
      %dma_wait3A_79 = arith.constant 0 : i32
      %dma_wait3A_80 = tpu.memref_slice %arg10[%add3A_13, %dma_wait3A_79] : memref<10112x128xf32, #tpu.memory_space<vmem_shared>> -> memref<128x128xf32, #tpu.memory_space<vmem_shared>>
      %dma_wait3A_81 = arith.constant 0 : i32
      %dma_wait3A_82 = tpu.memref_slice %arg10[%add3A_13, %dma_wait3A_81] : memref<10112x128xf32, #tpu.memory_space<vmem_shared>> -> memref<128x128xf32, #tpu.memory_space<vmem_shared>>
      tpu.wait_dma2 semaphore(%run_scoped3A_74 : memref<!tpu.dma_semaphore, #tpu.memory_space<semaphore_mem>>) src(%arg8 : memref<128x128xf32, #tpu.memory_space<vmem>>) dst(%dma_wait3A_82 : memref<128x128xf32, #tpu.memory_space<vmem_shared>>)
      tpu.yield
    }) : () -> ()
    %add3A_14 = arith.constant 384 : i32
    %add3A_15 = arith.addi %mul3A_7, %add3A_14 : i32
    "tpu.region"() ({
      %run_scoped3A_74 = tpu.sem_alloc : memref<!tpu.dma_semaphore, #tpu.memory_space<semaphore_mem>>
      %dma_start3A_75 = arith.constant 0 : i32
      %dma_start3A_76 = tpu.memref_slice %arg10[%add3A_15, %dma_start3A_75] : memref<10112x128xf32, #tpu.memory_space<vmem_shared>> -> memref<128x128xf32, #tpu.memory_space<vmem_shared>>
      %dma_start3A_77 = arith.constant 0 : i32
      %dma_start3A_78 = tpu.memref_slice %arg10[%add3A_15, %dma_start3A_77] : memref<10112x128xf32, #tpu.memory_space<vmem_shared>> -> memref<128x128xf32, #tpu.memory_space<vmem_shared>>
      tpu.enqueue_dma source(%arg8 : memref<128x128xf32, #tpu.memory_space<vmem>>) target(%dma_start3A_78 : memref<128x128xf32, #tpu.memory_space<vmem_shared>>) target_semaphore(%run_scoped3A_74 : memref<!tpu.dma_semaphore, #tpu.memory_space<semaphore_mem>>)
      %dma_wait3A_79 = arith.constant 0 : i32
      %dma_wait3A_80 = tpu.memref_slice %arg10[%add3A_15, %dma_wait3A_79] : memref<10112x128xf32, #tpu.memory_space<vmem_shared>> -> memref<128x128xf32, #tpu.memory_space<vmem_shared>>
      %dma_wait3A_81 = arith.constant 0 : i32
      %dma_wait3A_82 = tpu.memref_slice %arg10[%add3A_15, %dma_wait3A_81] : memref<10112x128xf32, #tpu.memory_space<vmem_shared>> -> memref<128x128xf32, #tpu.memory_space<vmem_shared>>
      tpu.wait_dma2 semaphore(%run_scoped3A_74 : memref<!tpu.dma_semaphore, #tpu.memory_space<semaphore_mem>>) src(%arg8 : memref<128x128xf32, #tpu.memory_space<vmem>>) dst(%dma_wait3A_82 : memref<128x128xf32, #tpu.memory_space<vmem_shared>>)
      tpu.yield
    }) : () -> ()
    %add3A_16 = arith.constant 512 : i32
    %add3A_17 = arith.addi %mul3A_7, %add3A_16 : i32
    "tpu.region"() ({
      %run_scoped3A_74 = tpu.sem_alloc : memref<!tpu.dma_semaphore, #tpu.memory_space<semaphore_mem>>
      %dma_start3A_75 = arith.constant 0 : i32
      %dma_start3A_76 = arith.constant 0 : i32
      %dma_start3A_77 = tpu.memref_slice %arg8[%dma_start3A_75, %dma_start3A_76] : memref<128x128xf32, #tpu.memory_space<vmem>> -> memref<120x128xf32, #tpu.memory_space<vmem>>
      %dma_start3A_78 = arith.constant 0 : i32
      %dma_start3A_79 = tpu.memref_slice %arg10[%add3A_17, %dma_start3A_78] : memref<10112x128xf32, #tpu.memory_space<vmem_shared>> -> memref<120x128xf32, #tpu.memory_space<vmem_shared>>
      %dma_start3A_80 = arith.constant 0 : i32
      %dma_start3A_81 = tpu.memref_slice %arg10[%add3A_17, %dma_start3A_80] : memref<10112x128xf32, #tpu.memory_space<vmem_shared>> -> memref<120x128xf32, #tpu.memory_space<vmem_shared>>
      %dma_start3A_82 = arith.constant 0 : i32
      %dma_start3A_83 = arith.constant 0 : i32
      %dma_start3A_84 = tpu.memref_slice %arg8[%dma_start3A_82, %dma_start3A_83] : memref<128x128xf32, #tpu.memory_space<vmem>> -> memref<120x128xf32, #tpu.memory_space<vmem>>
      tpu.enqueue_dma source(%dma_start3A_84 : memref<120x128xf32, #tpu.memory_space<vmem>>) target(%dma_start3A_81 : memref<120x128xf32, #tpu.memory_space<vmem_shared>>) target_semaphore(%run_scoped3A_74 : memref<!tpu.dma_semaphore, #tpu.memory_space<semaphore_mem>>)
      %dma_wait3A_85 = arith.constant 0 : i32
      %dma_wait3A_86 = arith.constant 0 : i32
      %dma_wait3A_87 = tpu.memref_slice %arg8[%dma_wait3A_85, %dma_wait3A_86] : memref<128x128xf32, #tpu.memory_space<vmem>> -> memref<120x128xf32, #tpu.memory_space<vmem>>
      %dma_wait3A_88 = arith.constant 0 : i32
      %dma_wait3A_89 = tpu.memref_slice %arg10[%add3A_17, %dma_wait3A_88] : memref<10112x128xf32, #tpu.memory_space<vmem_shared>> -> memref<120x128xf32, #tpu.memory_space<vmem_shared>>
      %dma_wait3A_90 = arith.constant 0 : i32
      %dma_wait3A_91 = tpu.memref_slice %arg10[%add3A_17, %dma_wait3A_90] : memref<10112x128xf32, #tpu.memory_space<vmem_shared>> -> memref<120x128xf32, #tpu.memory_space<vmem_shared>>
      %dma_wait3A_92 = arith.constant 0 : i32
      %dma_wait3A_93 = arith.constant 0 : i32
      %dma_wait3A_94 = tpu.memref_slice %arg8[%dma_wait3A_92, %dma_wait3A_93] : memref<128x128xf32, #tpu.memory_space<vmem>> -> memref<120x128xf32, #tpu.memory_space<vmem>>
      tpu.wait_dma2 semaphore(%run_scoped3A_74 : memref<!tpu.dma_semaphore, #tpu.memory_space<semaphore_mem>>) src(%dma_wait3A_94 : memref<120x128xf32, #tpu.memory_space<vmem>>) dst(%dma_wait3A_91 : memref<120x128xf32, #tpu.memory_space<vmem_shared>>)
      tpu.yield
    }) : () -> ()
    %barrier3A = arith.constant 0 : index
    tpu.barrier barrier_id(%barrier3A)
    %dma_start3A = arith.constant 0 : i32
    %dma_start3A_18 = arith.constant 0 : i32
    %dma_start3A_19 = tpu.memref_slice %arg6[%dma_start3A, %dma_start3A_18] : memref<79x128xi32, #tpu.memory_space<vmem>> -> memref<1x128xi32, #tpu.memory_space<vmem>>
    %dma_start3A_20 = tpu.memref_squeeze %dma_start3A_19 : memref<1x128xi32, #tpu.memory_space<vmem>> -> memref<128xi32, #tpu.memory_space<vmem>>
    %dma_start3A_21 = arith.constant 0 : i32
    %dma_start3A_22 = arith.constant 0 : i32
    %dma_start3A_23 = tpu.memref_slice %arg2[%dma_start3A_21, %dma_start3A_22] : memref<320000x128xf32, #tpu.memory_space<hbm>> -> memref<320000x128xf32, #tpu.memory_space<hbm>>
    tpu.enqueue_indirect_dma source(%dma_start3A_23 : memref<320000x128xf32, #tpu.memory_space<hbm>>) target(%arg8 : memref<128x128xf32, #tpu.memory_space<vmem>>) offsets(%dma_start3A_20 : memref<128xi32, #tpu.memory_space<vmem>>) semaphore(%arg11 : memref<!tpu.dma_semaphore, #tpu.memory_space<semaphore_mem>>)
    %dma_start3A_24 = arith.constant 0 : i32
    %dma_start3A_25 = arith.constant 0 : i32
    %dma_start3A_26 = arith.constant 0 : i32
    %dma_start3A_27 = arith.constant 0 : i32
    %dma_start3A_28 = tpu.memref_slice %arg7[%dma_start3A_25, %dma_start3A_26, %dma_start3A_27] : memref<2x1x128xi32, #tpu.memory_space<vmem>> -> memref<1x1x128xi32, #tpu.memory_space<vmem>>
    %dma_start3A_29 = tpu.memref_squeeze %dma_start3A_28 : memref<1x1x128xi32, #tpu.memory_space<vmem>> -> memref<1x128xi32, #tpu.memory_space<vmem>>
    %dma_start3A_30 = arith.constant 0 : i32
    %dma_start3A_31 = arith.constant 0 : i32
    %dma_start3A_32 = tpu.memref_slice %arg4[%add3A, %dma_start3A_24, %dma_start3A_30, %dma_start3A_31] : memref<32x79x1x128xi32, #tpu.memory_space<hbm>> -> memref<1x1x1x128xi32, #tpu.memory_space<hbm>>
    %dma_start3A_33 = tpu.memref_squeeze %dma_start3A_32 : memref<1x1x1x128xi32, #tpu.memory_space<hbm>> -> memref<1x128xi32, #tpu.memory_space<hbm>>
    %dma_start3A_34 = arith.constant 0 : i32
    %dma_start3A_35 = arith.constant 0 : i32
    %dma_start3A_36 = tpu.memref_slice %arg7[%dma_start3A_25, %dma_start3A_34, %dma_start3A_35] : memref<2x1x128xi32, #tpu.memory_space<vmem>> -> memref<1x1x128xi32, #tpu.memory_space<vmem>>
    %dma_start3A_37 = tpu.memref_squeeze %dma_start3A_36 : memref<1x1x128xi32, #tpu.memory_space<vmem>> -> memref<1x128xi32, #tpu.memory_space<vmem>>
    %dma_start3A_38 = arith.constant 0 : i32
    %dma_start3A_39 = arith.constant 0 : i32
    %dma_start3A_40 = tpu.memref_slice %arg4[%add3A, %dma_start3A_24, %dma_start3A_38, %dma_start3A_39] : memref<32x79x1x128xi32, #tpu.memory_space<hbm>> -> memref<1x1x1x128xi32, #tpu.memory_space<hbm>>
    %dma_start3A_41 = tpu.memref_squeeze %dma_start3A_40 : memref<1x1x1x128xi32, #tpu.memory_space<hbm>> -> memref<1x128xi32, #tpu.memory_space<hbm>>
    tpu.enqueue_dma source(%dma_start3A_41 : memref<1x128xi32, #tpu.memory_space<hbm>>) target(%dma_start3A_37 : memref<1x128xi32, #tpu.memory_space<vmem>>) target_semaphore(%arg13 : memref<!tpu.dma_semaphore, #tpu.memory_space<semaphore_mem>>)
    %scan3A_42 = arith.constant 0 : i32
    %scan3A_43 = arith.constant 0 : i32
    %scan3A_44 = arith.constant 39 : i32
    %scan3A_45 = arith.addi %scan3A_43, %scan3A_44 : i32
    %scan3A_46 = arith.constant 1 : i32
    scf.for %scan3A_74 = %scan3A_43 to %scan3A_45 step %scan3A_46  : i32 {
      %mul3A_75 = arith.constant 2 : i32
      %mul3A_76 = arith.muli %mul3A_75, %scan3A_74 : i32
      %add3A_77 = arith.constant 1 : i32
      %add3A_78 = arith.addi %mul3A_76, %add3A_77 : i32
      %dma_start3A_79 = arith.constant 0 : i32
      %dma_start3A_80 = tpu.memref_slice %arg6[%add3A_78, %dma_start3A_79] : memref<79x128xi32, #tpu.memory_space<vmem>> -> memref<1x128xi32, #tpu.memory_space<vmem>>
      %dma_start3A_81 = tpu.memref_squeeze %dma_start3A_80 : memref<1x128xi32, #tpu.memory_space<vmem>> -> memref<128xi32, #tpu.memory_space<vmem>>
      %dma_start3A_82 = arith.constant 0 : i32
      %dma_start3A_83 = arith.constant 0 : i32
      %dma_start3A_84 = tpu.memref_slice %arg2[%dma_start3A_82, %dma_start3A_83] : memref<320000x128xf32, #tpu.memory_space<hbm>> -> memref<320000x128xf32, #tpu.memory_space<hbm>>
      tpu.enqueue_indirect_dma source(%dma_start3A_84 : memref<320000x128xf32, #tpu.memory_space<hbm>>) target(%arg9 : memref<128x128xf32, #tpu.memory_space<vmem>>) offsets(%dma_start3A_81 : memref<128xi32, #tpu.memory_space<vmem>>) semaphore(%arg12 : memref<!tpu.dma_semaphore, #tpu.memory_space<semaphore_mem>>)
      %dma_start3A_85 = arith.constant 1 : i32
      %dma_start3A_86 = arith.constant 0 : i32
      %dma_start3A_87 = arith.constant 0 : i32
      %dma_start3A_88 = tpu.memref_slice %arg7[%dma_start3A_85, %dma_start3A_86, %dma_start3A_87] : memref<2x1x128xi32, #tpu.memory_space<vmem>> -> memref<1x1x128xi32, #tpu.memory_space<vmem>>
      %dma_start3A_89 = tpu.memref_squeeze %dma_start3A_88 : memref<1x1x128xi32, #tpu.memory_space<vmem>> -> memref<1x128xi32, #tpu.memory_space<vmem>>
      %dma_start3A_90 = arith.constant 0 : i32
      %dma_start3A_91 = arith.constant 0 : i32
      %dma_start3A_92 = tpu.memref_slice %arg4[%add3A, %add3A_78, %dma_start3A_90, %dma_start3A_91] : memref<32x79x1x128xi32, #tpu.memory_space<hbm>> -> memref<1x1x1x128xi32, #tpu.memory_space<hbm>>
      %dma_start3A_93 = tpu.memref_squeeze %dma_start3A_92 : memref<1x1x1x128xi32, #tpu.memory_space<hbm>> -> memref<1x128xi32, #tpu.memory_space<hbm>>
      %dma_start3A_94 = arith.constant 0 : i32
      %dma_start3A_95 = arith.constant 0 : i32
      %dma_start3A_96 = tpu.memref_slice %arg7[%dma_start3A_85, %dma_start3A_94, %dma_start3A_95] : memref<2x1x128xi32, #tpu.memory_space<vmem>> -> memref<1x1x128xi32, #tpu.memory_space<vmem>>
      %dma_start3A_97 = tpu.memref_squeeze %dma_start3A_96 : memref<1x1x128xi32, #tpu.memory_space<vmem>> -> memref<1x128xi32, #tpu.memory_space<vmem>>
      %dma_start3A_98 = arith.constant 0 : i32
      %dma_start3A_99 = arith.constant 0 : i32
      %dma_start3A_100 = tpu.memref_slice %arg4[%add3A, %add3A_78, %dma_start3A_98, %dma_start3A_99] : memref<32x79x1x128xi32, #tpu.memory_space<hbm>> -> memref<1x1x1x128xi32, #tpu.memory_space<hbm>>
      %dma_start3A_101 = tpu.memref_squeeze %dma_start3A_100 : memref<1x1x1x128xi32, #tpu.memory_space<hbm>> -> memref<1x128xi32, #tpu.memory_space<hbm>>
      tpu.enqueue_dma source(%dma_start3A_101 : memref<1x128xi32, #tpu.memory_space<hbm>>) target(%dma_start3A_97 : memref<1x128xi32, #tpu.memory_space<vmem>>) target_semaphore(%arg14 : memref<!tpu.dma_semaphore, #tpu.memory_space<semaphore_mem>>)
      %dma_wait3A_102 = arith.constant 0 : i32
      %dma_wait3A_103 = tpu.memref_slice %arg6[%mul3A_76, %dma_wait3A_102] : memref<79x128xi32, #tpu.memory_space<vmem>> -> memref<1x128xi32, #tpu.memory_space<vmem>>
      %dma_wait3A_104 = tpu.memref_squeeze %dma_wait3A_103 : memref<1x128xi32, #tpu.memory_space<vmem>> -> memref<128xi32, #tpu.memory_space<vmem>>
      %dma_wait3A_105 = arith.constant 0 : i32
      %dma_wait3A_106 = arith.constant 0 : i32
      %dma_wait3A_107 = tpu.memref_slice %arg2[%dma_wait3A_105, %dma_wait3A_106] : memref<320000x128xf32, #tpu.memory_space<hbm>> -> memref<320000x128xf32, #tpu.memory_space<hbm>>
      tpu.wait_indirect_dma semaphore(%arg11 : memref<!tpu.dma_semaphore, #tpu.memory_space<semaphore_mem>>) src(%dma_wait3A_107 : memref<320000x128xf32, #tpu.memory_space<hbm>>) dst(%arg8 : memref<128x128xf32, #tpu.memory_space<vmem>>)
      %dma_wait3A_108 = arith.constant 0 : i32
      %dma_wait3A_109 = arith.constant 0 : i32
      %dma_wait3A_110 = arith.constant 0 : i32
      %dma_wait3A_111 = tpu.memref_slice %arg7[%dma_wait3A_108, %dma_wait3A_109, %dma_wait3A_110] : memref<2x1x128xi32, #tpu.memory_space<vmem>> -> memref<1x1x128xi32, #tpu.memory_space<vmem>>
      %dma_wait3A_112 = tpu.memref_squeeze %dma_wait3A_111 : memref<1x1x128xi32, #tpu.memory_space<vmem>> -> memref<1x128xi32, #tpu.memory_space<vmem>>
      %dma_wait3A_113 = arith.constant 0 : i32
      %dma_wait3A_114 = arith.constant 0 : i32
      %dma_wait3A_115 = tpu.memref_slice %arg4[%add3A, %mul3A_76, %dma_wait3A_113, %dma_wait3A_114] : memref<32x79x1x128xi32, #tpu.memory_space<hbm>> -> memref<1x1x1x128xi32, #tpu.memory_space<hbm>>
      %dma_wait3A_116 = tpu.memref_squeeze %dma_wait3A_115 : memref<1x1x1x128xi32, #tpu.memory_space<hbm>> -> memref<1x128xi32, #tpu.memory_space<hbm>>
      %dma_wait3A_117 = arith.constant 0 : i32
      %dma_wait3A_118 = arith.constant 0 : i32
      %dma_wait3A_119 = tpu.memref_slice %arg7[%dma_wait3A_108, %dma_wait3A_117, %dma_wait3A_118] : memref<2x1x128xi32, #tpu.memory_space<vmem>> -> memref<1x1x128xi32, #tpu.memory_space<vmem>>
      %dma_wait3A_120 = tpu.memref_squeeze %dma_wait3A_119 : memref<1x1x128xi32, #tpu.memory_space<vmem>> -> memref<1x128xi32, #tpu.memory_space<vmem>>
      %dma_wait3A_121 = arith.constant 0 : i32
      %dma_wait3A_122 = arith.constant 0 : i32
      %dma_wait3A_123 = tpu.memref_slice %arg4[%add3A, %mul3A_76, %dma_wait3A_121, %dma_wait3A_122] : memref<32x79x1x128xi32, #tpu.memory_space<hbm>> -> memref<1x1x1x128xi32, #tpu.memory_space<hbm>>
      %dma_wait3A_124 = tpu.memref_squeeze %dma_wait3A_123 : memref<1x1x1x128xi32, #tpu.memory_space<hbm>> -> memref<1x128xi32, #tpu.memory_space<hbm>>
      tpu.wait_dma2 semaphore(%arg13 : memref<!tpu.dma_semaphore, #tpu.memory_space<semaphore_mem>>) src(%dma_wait3A_124 : memref<1x128xi32, #tpu.memory_space<hbm>>) dst(%dma_wait3A_120 : memref<1x128xi32, #tpu.memory_space<vmem>>)
      %run_scoped3A_125 = arith.constant 0 : i32
      %run_scoped3A_126 = arith.constant 0 : i32
      "tpu.region"() ({
        %run_scoped3A_181 = tpu.sem_alloc : memref<!tpu.dma_semaphore, #tpu.memory_space<semaphore_mem>>
        %dma_start3A_182 = arith.constant 0 : i32
        %dma_start3A_183 = tpu.memref_slice %arg7[%run_scoped3A_125, %run_scoped3A_126, %dma_start3A_182] : memref<2x1x128xi32, #tpu.memory_space<vmem>> -> memref<1x1x128xi32, #tpu.memory_space<vmem>>
        %dma_start3A_184 = tpu.memref_squeeze %dma_start3A_183 : memref<1x1x128xi32, #tpu.memory_space<vmem>> -> memref<128xi32, #tpu.memory_space<vmem>>
        %dma_start3A_185 = arith.constant 0 : i32
        %dma_start3A_186 = arith.constant 0 : i32
        %dma_start3A_187 = tpu.memref_slice %arg10[%dma_start3A_185, %dma_start3A_186] : memref<10112x128xf32, #tpu.memory_space<vmem_shared>> -> memref<10112x128xf32, #tpu.memory_space<vmem_shared>>
        tpu.enqueue_indirect_dma source(%arg8 : memref<128x128xf32, #tpu.memory_space<vmem>>) target(%dma_start3A_187 : memref<10112x128xf32, #tpu.memory_space<vmem_shared>>) offsets(%dma_start3A_184 : memref<128xi32, #tpu.memory_space<vmem>>) semaphore(%run_scoped3A_181 : memref<!tpu.dma_semaphore, #tpu.memory_space<semaphore_mem>>) {add = true}
        %dma_wait3A_188 = arith.constant 0 : i32
        %dma_wait3A_189 = tpu.memref_slice %arg7[%run_scoped3A_125, %run_scoped3A_126, %dma_wait3A_188] : memref<2x1x128xi32, #tpu.memory_space<vmem>> -> memref<1x1x128xi32, #tpu.memory_space<vmem>>
        %dma_wait3A_190 = tpu.memref_squeeze %dma_wait3A_189 : memref<1x1x128xi32, #tpu.memory_space<vmem>> -> memref<128xi32, #tpu.memory_space<vmem>>
        %dma_wait3A_191 = arith.constant 0 : i32
        %dma_wait3A_192 = arith.constant 0 : i32
        %dma_wait3A_193 = tpu.memref_slice %arg10[%dma_wait3A_191, %dma_wait3A_192] : memref<10112x128xf32, #tpu.memory_space<vmem_shared>> -> memref<10112x128xf32, #tpu.memory_space<vmem_shared>>
        tpu.wait_indirect_dma semaphore(%run_scoped3A_181 : memref<!tpu.dma_semaphore, #tpu.memory_space<semaphore_mem>>) src(%arg8 : memref<128x128xf32, #tpu.memory_space<vmem>>) dst(%dma_wait3A_193 : memref<10112x128xf32, #tpu.memory_space<vmem_shared>>)
        tpu.yield
      }) : () -> ()
      %add3A_127 = arith.constant 2 : i32
      %add3A_128 = arith.addi %mul3A_76, %add3A_127 : i32
      %dma_start3A_129 = arith.constant 0 : i32
      %dma_start3A_130 = tpu.memref_slice %arg6[%add3A_128, %dma_start3A_129] : memref<79x128xi32, #tpu.memory_space<vmem>> -> memref<1x128xi32, #tpu.memory_space<vmem>>
      %dma_start3A_131 = tpu.memref_squeeze %dma_start3A_130 : memref<1x128xi32, #tpu.memory_space<vmem>> -> memref<128xi32, #tpu.memory_space<vmem>>
      %dma_start3A_132 = arith.constant 0 : i32
      %dma_start3A_133 = arith.constant 0 : i32
      %dma_start3A_134 = tpu.memref_slice %arg2[%dma_start3A_132, %dma_start3A_133] : memref<320000x128xf32, #tpu.memory_space<hbm>> -> memref<320000x128xf32, #tpu.memory_space<hbm>>
      tpu.enqueue_indirect_dma source(%dma_start3A_134 : memref<320000x128xf32, #tpu.memory_space<hbm>>) target(%arg8 : memref<128x128xf32, #tpu.memory_space<vmem>>) offsets(%dma_start3A_131 : memref<128xi32, #tpu.memory_space<vmem>>) semaphore(%arg11 : memref<!tpu.dma_semaphore, #tpu.memory_space<semaphore_mem>>)
      %dma_start3A_135 = arith.constant 0 : i32
      %dma_start3A_136 = arith.constant 0 : i32
      %dma_start3A_137 = arith.constant 0 : i32
      %dma_start3A_138 = tpu.memref_slice %arg7[%dma_start3A_135, %dma_start3A_136, %dma_start3A_137] : memref<2x1x128xi32, #tpu.memory_space<vmem>> -> memref<1x1x128xi32, #tpu.memory_space<vmem>>
      %dma_start3A_139 = tpu.memref_squeeze %dma_start3A_138 : memref<1x1x128xi32, #tpu.memory_space<vmem>> -> memref<1x128xi32, #tpu.memory_space<vmem>>
      %dma_start3A_140 = arith.constant 0 : i32
      %dma_start3A_141 = arith.constant 0 : i32
      %dma_start3A_142 = tpu.memref_slice %arg4[%add3A, %add3A_128, %dma_start3A_140, %dma_start3A_141] : memref<32x79x1x128xi32, #tpu.memory_space<hbm>> -> memref<1x1x1x128xi32, #tpu.memory_space<hbm>>
      %dma_start3A_143 = tpu.memref_squeeze %dma_start3A_142 : memref<1x1x1x128xi32, #tpu.memory_space<hbm>> -> memref<1x128xi32, #tpu.memory_space<hbm>>
      %dma_start3A_144 = arith.constant 0 : i32
      %dma_start3A_145 = arith.constant 0 : i32
      %dma_start3A_146 = tpu.memref_slice %arg7[%dma_start3A_135, %dma_start3A_144, %dma_start3A_145] : memref<2x1x128xi32, #tpu.memory_space<vmem>> -> memref<1x1x128xi32, #tpu.memory_space<vmem>>
      %dma_start3A_147 = tpu.memref_squeeze %dma_start3A_146 : memref<1x1x128xi32, #tpu.memory_space<vmem>> -> memref<1x128xi32, #tpu.memory_space<vmem>>
      %dma_start3A_148 = arith.constant 0 : i32
      %dma_start3A_149 = arith.constant 0 : i32
      %dma_start3A_150 = tpu.memref_slice %arg4[%add3A, %add3A_128, %dma_start3A_148, %dma_start3A_149] : memref<32x79x1x128xi32, #tpu.memory_space<hbm>> -> memref<1x1x1x128xi32, #tpu.memory_space<hbm>>
      %dma_start3A_151 = tpu.memref_squeeze %dma_start3A_150 : memref<1x1x1x128xi32, #tpu.memory_space<hbm>> -> memref<1x128xi32, #tpu.memory_space<hbm>>
      tpu.enqueue_dma source(%dma_start3A_151 : memref<1x128xi32, #tpu.memory_space<hbm>>) target(%dma_start3A_147 : memref<1x128xi32, #tpu.memory_space<vmem>>) target_semaphore(%arg13 : memref<!tpu.dma_semaphore, #tpu.memory_space<semaphore_mem>>)
      %add3A_152 = arith.constant 1 : i32
      %add3A_153 = arith.addi %mul3A_76, %add3A_152 : i32
      %dma_wait3A_154 = arith.constant 0 : i32
      %dma_wait3A_155 = tpu.memref_slice %arg6[%add3A_153, %dma_wait3A_154] : memref<79x128xi32, #tpu.memory_space<vmem>> -> memref<1x128xi32, #tpu.memory_space<vmem>>
      %dma_wait3A_156 = tpu.memref_squeeze %dma_wait3A_155 : memref<1x128xi32, #tpu.memory_space<vmem>> -> memref<128xi32, #tpu.memory_space<vmem>>
      %dma_wait3A_157 = arith.constant 0 : i32
      %dma_wait3A_158 = arith.constant 0 : i32
      %dma_wait3A_159 = tpu.memref_slice %arg2[%dma_wait3A_157, %dma_wait3A_158] : memref<320000x128xf32, #tpu.memory_space<hbm>> -> memref<320000x128xf32, #tpu.memory_space<hbm>>
      tpu.wait_indirect_dma semaphore(%arg12 : memref<!tpu.dma_semaphore, #tpu.memory_space<semaphore_mem>>) src(%dma_wait3A_159 : memref<320000x128xf32, #tpu.memory_space<hbm>>) dst(%arg9 : memref<128x128xf32, #tpu.memory_space<vmem>>)
      %dma_wait3A_160 = arith.constant 1 : i32
      %dma_wait3A_161 = arith.constant 0 : i32
      %dma_wait3A_162 = arith.constant 0 : i32
      %dma_wait3A_163 = tpu.memref_slice %arg7[%dma_wait3A_160, %dma_wait3A_161, %dma_wait3A_162] : memref<2x1x128xi32, #tpu.memory_space<vmem>> -> memref<1x1x128xi32, #tpu.memory_space<vmem>>
      %dma_wait3A_164 = tpu.memref_squeeze %dma_wait3A_163 : memref<1x1x128xi32, #tpu.memory_space<vmem>> -> memref<1x128xi32, #tpu.memory_space<vmem>>
      %dma_wait3A_165 = arith.constant 0 : i32
      %dma_wait3A_166 = arith.constant 0 : i32
      %dma_wait3A_167 = tpu.memref_slice %arg4[%add3A, %add3A_153, %dma_wait3A_165, %dma_wait3A_166] : memref<32x79x1x128xi32, #tpu.memory_space<hbm>> -> memref<1x1x1x128xi32, #tpu.memory_space<hbm>>
      %dma_wait3A_168 = tpu.memref_squeeze %dma_wait3A_167 : memref<1x1x1x128xi32, #tpu.memory_space<hbm>> -> memref<1x128xi32, #tpu.memory_space<hbm>>
      %dma_wait3A_169 = arith.constant 0 : i32
      %dma_wait3A_170 = arith.constant 0 : i32
      %dma_wait3A_171 = tpu.memref_slice %arg7[%dma_wait3A_160, %dma_wait3A_169, %dma_wait3A_170] : memref<2x1x128xi32, #tpu.memory_space<vmem>> -> memref<1x1x128xi32, #tpu.memory_space<vmem>>
      %dma_wait3A_172 = tpu.memref_squeeze %dma_wait3A_171 : memref<1x1x128xi32, #tpu.memory_space<vmem>> -> memref<1x128xi32, #tpu.memory_space<vmem>>
      %dma_wait3A_173 = arith.constant 0 : i32
      %dma_wait3A_174 = arith.constant 0 : i32
      %dma_wait3A_175 = tpu.memref_slice %arg4[%add3A, %add3A_153, %dma_wait3A_173, %dma_wait3A_174] : memref<32x79x1x128xi32, #tpu.memory_space<hbm>> -> memref<1x1x1x128xi32, #tpu.memory_space<hbm>>
      %dma_wait3A_176 = tpu.memref_squeeze %dma_wait3A_175 : memref<1x1x1x128xi32, #tpu.memory_space<hbm>> -> memref<1x128xi32, #tpu.memory_space<hbm>>
      tpu.wait_dma2 semaphore(%arg14 : memref<!tpu.dma_semaphore, #tpu.memory_space<semaphore_mem>>) src(%dma_wait3A_176 : memref<1x128xi32, #tpu.memory_space<hbm>>) dst(%dma_wait3A_172 : memref<1x128xi32, #tpu.memory_space<vmem>>)
      %add3A_177 = arith.constant 1 : i32
      %add3A_178 = arith.addi %mul3A_76, %add3A_177 : i32
      %run_scoped3A_179 = arith.constant 1 : i32
      %run_scoped3A_180 = arith.constant 0 : i32
      "tpu.region"() ({
        %run_scoped3A_181 = tpu.sem_alloc : memref<!tpu.dma_semaphore, #tpu.memory_space<semaphore_mem>>
        %dma_start3A_182 = arith.constant 0 : i32
        %dma_start3A_183 = tpu.memref_slice %arg7[%run_scoped3A_179, %run_scoped3A_180, %dma_start3A_182] : memref<2x1x128xi32, #tpu.memory_space<vmem>> -> memref<1x1x128xi32, #tpu.memory_space<vmem>>
        %dma_start3A_184 = tpu.memref_squeeze %dma_start3A_183 : memref<1x1x128xi32, #tpu.memory_space<vmem>> -> memref<128xi32, #tpu.memory_space<vmem>>
        %dma_start3A_185 = arith.constant 0 : i32
        %dma_start3A_186 = arith.constant 0 : i32
        %dma_start3A_187 = tpu.memref_slice %arg10[%dma_start3A_185, %dma_start3A_186] : memref<10112x128xf32, #tpu.memory_space<vmem_shared>> -> memref<10112x128xf32, #tpu.memory_space<vmem_shared>>
        tpu.enqueue_indirect_dma source(%arg9 : memref<128x128xf32, #tpu.memory_space<vmem>>) target(%dma_start3A_187 : memref<10112x128xf32, #tpu.memory_space<vmem_shared>>) offsets(%dma_start3A_184 : memref<128xi32, #tpu.memory_space<vmem>>) semaphore(%run_scoped3A_181 : memref<!tpu.dma_semaphore, #tpu.memory_space<semaphore_mem>>) {add = true}
        %dma_wait3A_188 = arith.constant 0 : i32
        %dma_wait3A_189 = tpu.memref_slice %arg7[%run_scoped3A_179, %run_scoped3A_180, %dma_wait3A_188] : memref<2x1x128xi32, #tpu.memory_space<vmem>> -> memref<1x1x128xi32, #tpu.memory_space<vmem>>
        %dma_wait3A_190 = tpu.memref_squeeze %dma_wait3A_189 : memref<1x1x128xi32, #tpu.memory_space<vmem>> -> memref<128xi32, #tpu.memory_space<vmem>>
        %dma_wait3A_191 = arith.constant 0 : i32
        %dma_wait3A_192 = arith.constant 0 : i32
        %dma_wait3A_193 = tpu.memref_slice %arg10[%dma_wait3A_191, %dma_wait3A_192] : memref<10112x128xf32, #tpu.memory_space<vmem_shared>> -> memref<10112x128xf32, #tpu.memory_space<vmem_shared>>
        tpu.wait_indirect_dma semaphore(%run_scoped3A_181 : memref<!tpu.dma_semaphore, #tpu.memory_space<semaphore_mem>>) src(%arg9 : memref<128x128xf32, #tpu.memory_space<vmem>>) dst(%dma_wait3A_193 : memref<10112x128xf32, #tpu.memory_space<vmem_shared>>)
        tpu.yield
      }) : () -> ()
    }
    %scan3A_47 = arith.constant 39 : i32
    %dma_wait3A = arith.constant 78 : i32
    %dma_wait3A_48 = arith.constant 0 : i32
    %dma_wait3A_49 = tpu.memref_slice %arg6[%dma_wait3A, %dma_wait3A_48] : memref<79x128xi32, #tpu.memory_space<vmem>> -> memref<1x128xi32, #tpu.memory_space<vmem>>
    %dma_wait3A_50 = tpu.memref_squeeze %dma_wait3A_49 : memref<1x128xi32, #tpu.memory_space<vmem>> -> memref<128xi32, #tpu.memory_space<vmem>>
    %dma_wait3A_51 = arith.constant 0 : i32
    %dma_wait3A_52 = arith.constant 0 : i32
    %dma_wait3A_53 = tpu.memref_slice %arg2[%dma_wait3A_51, %dma_wait3A_52] : memref<320000x128xf32, #tpu.memory_space<hbm>> -> memref<320000x128xf32, #tpu.memory_space<hbm>>
    tpu.wait_indirect_dma semaphore(%arg11 : memref<!tpu.dma_semaphore, #tpu.memory_space<semaphore_mem>>) src(%dma_wait3A_53 : memref<320000x128xf32, #tpu.memory_space<hbm>>) dst(%arg8 : memref<128x128xf32, #tpu.memory_space<vmem>>)
    %dma_wait3A_54 = arith.constant 78 : i32
    %dma_wait3A_55 = arith.constant 0 : i32
    %dma_wait3A_56 = arith.constant 0 : i32
    %dma_wait3A_57 = arith.constant 0 : i32
    %dma_wait3A_58 = tpu.memref_slice %arg7[%dma_wait3A_55, %dma_wait3A_56, %dma_wait3A_57] : memref<2x1x128xi32, #tpu.memory_space<vmem>> -> memref<1x1x128xi32, #tpu.memory_space<vmem>>
    %dma_wait3A_59 = tpu.memref_squeeze %dma_wait3A_58 : memref<1x1x128xi32, #tpu.memory_space<vmem>> -> memref<1x128xi32, #tpu.memory_space<vmem>>
    %dma_wait3A_60 = arith.constant 0 : i32
    %dma_wait3A_61 = arith.constant 0 : i32
    %dma_wait3A_62 = tpu.memref_slice %arg4[%add3A, %dma_wait3A_54, %dma_wait3A_60, %dma_wait3A_61] : memref<32x79x1x128xi32, #tpu.memory_space<hbm>> -> memref<1x1x1x128xi32, #tpu.memory_space<hbm>>
    %dma_wait3A_63 = tpu.memref_squeeze %dma_wait3A_62 : memref<1x1x1x128xi32, #tpu.memory_space<hbm>> -> memref<1x128xi32, #tpu.memory_space<hbm>>
    %dma_wait3A_64 = arith.constant 0 : i32
    %dma_wait3A_65 = arith.constant 0 : i32
    %dma_wait3A_66 = tpu.memref_slice %arg7[%dma_wait3A_55, %dma_wait3A_64, %dma_wait3A_65] : memref<2x1x128xi32, #tpu.memory_space<vmem>> -> memref<1x1x128xi32, #tpu.memory_space<vmem>>
    %dma_wait3A_67 = tpu.memref_squeeze %dma_wait3A_66 : memref<1x1x128xi32, #tpu.memory_space<vmem>> -> memref<1x128xi32, #tpu.memory_space<vmem>>
    %dma_wait3A_68 = arith.constant 0 : i32
    %dma_wait3A_69 = arith.constant 0 : i32
    %dma_wait3A_70 = tpu.memref_slice %arg4[%add3A, %dma_wait3A_54, %dma_wait3A_68, %dma_wait3A_69] : memref<32x79x1x128xi32, #tpu.memory_space<hbm>> -> memref<1x1x1x128xi32, #tpu.memory_space<hbm>>
    %dma_wait3A_71 = tpu.memref_squeeze %dma_wait3A_70 : memref<1x1x1x128xi32, #tpu.memory_space<hbm>> -> memref<1x128xi32, #tpu.memory_space<hbm>>
    tpu.wait_dma2 semaphore(%arg13 : memref<!tpu.dma_semaphore, #tpu.memory_space<semaphore_mem>>) src(%dma_wait3A_71 : memref<1x128xi32, #tpu.memory_space<hbm>>) dst(%dma_wait3A_67 : memref<1x128xi32, #tpu.memory_space<vmem>>)
    %run_scoped3A = arith.constant 0 : i32
    %run_scoped3A_72 = arith.constant 0 : i32
    "tpu.region"() ({
      %run_scoped3A_74 = tpu.sem_alloc : memref<!tpu.dma_semaphore, #tpu.memory_space<semaphore_mem>>
      %dma_start3A_75 = arith.constant 0 : i32
      %dma_start3A_76 = tpu.memref_slice %arg7[%run_scoped3A, %run_scoped3A_72, %dma_start3A_75] : memref<2x1x128xi32, #tpu.memory_space<vmem>> -> memref<1x1x128xi32, #tpu.memory_space<vmem>>
      %dma_start3A_77 = tpu.memref_squeeze %dma_start3A_76 : memref<1x1x128xi32, #tpu.memory_space<vmem>> -> memref<128xi32, #tpu.memory_space<vmem>>
      %dma_start3A_78 = arith.constant 0 : i32
      %dma_start3A_79 = arith.constant 0 : i32
      %dma_start3A_80 = tpu.memref_slice %arg10[%dma_start3A_78, %dma_start3A_79] : memref<10112x128xf32, #tpu.memory_space<vmem_shared>> -> memref<10112x128xf32, #tpu.memory_space<vmem_shared>>
      tpu.enqueue_indirect_dma source(%arg8 : memref<128x128xf32, #tpu.memory_space<vmem>>) target(%dma_start3A_80 : memref<10112x128xf32, #tpu.memory_space<vmem_shared>>) offsets(%dma_start3A_77 : memref<128xi32, #tpu.memory_space<vmem>>) semaphore(%run_scoped3A_74 : memref<!tpu.dma_semaphore, #tpu.memory_space<semaphore_mem>>) {add = true}
      %dma_wait3A_81 = arith.constant 0 : i32
      %dma_wait3A_82 = tpu.memref_slice %arg7[%run_scoped3A, %run_scoped3A_72, %dma_wait3A_81] : memref<2x1x128xi32, #tpu.memory_space<vmem>> -> memref<1x1x128xi32, #tpu.memory_space<vmem>>
      %dma_wait3A_83 = tpu.memref_squeeze %dma_wait3A_82 : memref<1x1x128xi32, #tpu.memory_space<vmem>> -> memref<128xi32, #tpu.memory_space<vmem>>
      %dma_wait3A_84 = arith.constant 0 : i32
      %dma_wait3A_85 = arith.constant 0 : i32
      %dma_wait3A_86 = tpu.memref_slice %arg10[%dma_wait3A_84, %dma_wait3A_85] : memref<10112x128xf32, #tpu.memory_space<vmem_shared>> -> memref<10112x128xf32, #tpu.memory_space<vmem_shared>>
      tpu.wait_indirect_dma semaphore(%run_scoped3A_74 : memref<!tpu.dma_semaphore, #tpu.memory_space<semaphore_mem>>) src(%arg8 : memref<128x128xf32, #tpu.memory_space<vmem>>) dst(%dma_wait3A_86 : memref<10112x128xf32, #tpu.memory_space<vmem_shared>>)
      tpu.yield
    }) : () -> ()
    %barrier3A_73 = arith.constant 0 : index
    tpu.barrier barrier_id(%barrier3A_73)
    "tpu.region"() ({
      %run_scoped3A_74 = tpu.sem_alloc : memref<!tpu.dma_semaphore, #tpu.memory_space<semaphore_mem>>
      %dma_start3A_75 = arith.constant 0 : i32
      %dma_start3A_76 = tpu.memref_slice %arg5[%arg0, %mul3A_7, %dma_start3A_75] : memref<2x10112x128xf32, #tpu.memory_space<hbm>> -> memref<1x632x128xf32, #tpu.memory_space<hbm>>
      %dma_start3A_77 = tpu.memref_squeeze %dma_start3A_76 : memref<1x632x128xf32, #tpu.memory_space<hbm>> -> memref<632x128xf32, #tpu.memory_space<hbm>>
      %dma_start3A_78 = arith.constant 0 : i32
      %dma_start3A_79 = tpu.memref_slice %arg10[%mul3A_7, %dma_start3A_78] : memref<10112x128xf32, #tpu.memory_space<vmem_shared>> -> memref<632x128xf32, #tpu.memory_space<vmem_shared>>
      tpu.enqueue_dma source(%dma_start3A_79 : memref<632x128xf32, #tpu.memory_space<vmem_shared>>) target(%dma_start3A_77 : memref<632x128xf32, #tpu.memory_space<hbm>>) target_semaphore(%run_scoped3A_74 : memref<!tpu.dma_semaphore, #tpu.memory_space<semaphore_mem>>)
      %dma_wait3A_80 = arith.constant 0 : i32
      %dma_wait3A_81 = tpu.memref_slice %arg5[%arg0, %mul3A_7, %dma_wait3A_80] : memref<2x10112x128xf32, #tpu.memory_space<hbm>> -> memref<1x632x128xf32, #tpu.memory_space<hbm>>
      %dma_wait3A_82 = tpu.memref_squeeze %dma_wait3A_81 : memref<1x632x128xf32, #tpu.memory_space<hbm>> -> memref<632x128xf32, #tpu.memory_space<hbm>>
      %dma_wait3A_83 = arith.constant 0 : i32
      %dma_wait3A_84 = tpu.memref_slice %arg10[%mul3A_7, %dma_wait3A_83] : memref<10112x128xf32, #tpu.memory_space<vmem_shared>> -> memref<632x128xf32, #tpu.memory_space<vmem_shared>>
      tpu.wait_dma2 semaphore(%run_scoped3A_74 : memref<!tpu.dma_semaphore, #tpu.memory_space<semaphore_mem>>) src(%dma_wait3A_84 : memref<632x128xf32, #tpu.memory_space<vmem_shared>>) dst(%dma_wait3A_82 : memref<632x128xf32, #tpu.memory_space<hbm>>)
      tpu.yield
    }) : () -> ()
    return
  }
}

module attributes {stable_mosaic.version = 14 : i64} {
  func.func @body(%arg0: memref<625x512xi32, #tpu.memory_space<vmem>>, %arg1: memref<625x512xi32, #tpu.memory_space<vmem>>, %arg2: memref<625x512xi32, #tpu.memory_space<vmem>>, %arg3: memref<632x512xi32, #tpu.memory_space<vmem>>, %arg4: memref<632x512xi32, #tpu.memory_space<vmem>>) attributes {dimension_semantics = [], scalar_prefetch = 0 : i64, scratch_operands = 0 : i64, tpu.core_type = #tpu.core_type<tc>} {
    %broadcast_in_dim3A = arith.constant 0 : i32
    %broadcast_in_dim3A_0 = vector.broadcast %broadcast_in_dim3A : i32 to vector<7x512xi32>
    %get3A = arith.constant 0 : index
    %get3A_1 = arith.constant 0 : index
    %get3A_2 = vector.load %arg0[%get3A, %get3A_1] : memref<625x512xi32, #tpu.memory_space<vmem>>, vector<625x512xi32>
    %concatenate3A = tpu.concatenate %get3A_2, %broadcast_in_dim3A_0 in 0 : vector<625x512xi32>, vector<7x512xi32> -> vector<632x512xi32>
    %get3A_3 = arith.constant 0 : index
    %get3A_4 = arith.constant 0 : index
    %get3A_5 = vector.load %arg1[%get3A_3, %get3A_4] : memref<625x512xi32, #tpu.memory_space<vmem>>, vector<625x512xi32>
    %concatenate3A_6 = tpu.concatenate %get3A_5, %broadcast_in_dim3A_0 in 0 : vector<625x512xi32>, vector<7x512xi32> -> vector<632x512xi32>
    %get3A_7 = arith.constant 0 : index
    %get3A_8 = arith.constant 0 : index
    %get3A_9 = vector.load %arg2[%get3A_7, %get3A_8] : memref<625x512xi32, #tpu.memory_space<vmem>>, vector<625x512xi32>
    %concatenate3A_10 = tpu.concatenate %get3A_9, %broadcast_in_dim3A_0 in 0 : vector<625x512xi32>, vector<7x512xi32> -> vector<632x512xi32>
    %iota3A = tpu.iota {dimensions = array<i32: 0>} : vector<632x512xi32>
    %mul3A = arith.constant 512 : i32
    %mul3A_11 = vector.broadcast %mul3A : i32 to vector<632x512xi32>
    %mul3A_12 = arith.muli %iota3A, %mul3A_11 : vector<632x512xi32>
    %iota3A_13 = tpu.iota {dimensions = array<i32: 1>} : vector<632x512xi32>
    %add3A = arith.addi %mul3A_12, %iota3A_13 : vector<632x512xi32>
    %lt3A = arith.constant 320000 : i32
    %lt3A_14 = vector.broadcast %lt3A : i32 to vector<632x512xi32>
    %lt3A_15 = arith.cmpi slt, %add3A, %lt3A_14 : vector<632x512xi32>
    %mul3A_16 = arith.constant 10000 : i32
    %mul3A_17 = vector.broadcast %mul3A_16 : i32 to vector<632x512xi32>
    %mul3A_18 = arith.muli %concatenate3A_6, %mul3A_17 : vector<632x512xi32>
    %add3A_19 = arith.addi %mul3A_18, %concatenate3A : vector<632x512xi32>
    %sub3A = arith.constant 320000 : i32
    %sub3A_20 = vector.broadcast %sub3A : i32 to vector<632x512xi32>
    %sub3A_21 = arith.subi %add3A, %sub3A_20 : vector<632x512xi32>
    %jit3A = arith.constant 10000 : i32
    %eq3A = arith.constant 0 : i32
    %eq3A_22 = arith.cmpi eq, %jit3A, %eq3A : i32
    %jit3A_23 = arith.constant 1 : i32
    %select_n3A = arith.select %eq3A_22, %jit3A_23, %jit3A : i32
    %rem3A = vector.broadcast %select_n3A : i32 to vector<632x512xi32>
    %rem3A_24 = arith.remsi %sub3A_21, %rem3A : vector<632x512xi32>
    %ne3A = arith.constant 0 : i32
    %ne3A_25 = vector.broadcast %ne3A : i32 to vector<632x512xi32>
    %ne3A_26 = arith.cmpi ne, %rem3A_24, %ne3A_25 : vector<632x512xi32>
    %lt3A_27 = arith.constant 0 : i32
    %lt3A_28 = vector.broadcast %lt3A_27 : i32 to vector<632x512xi32>
    %lt3A_29 = arith.cmpi slt, %rem3A_24, %lt3A_28 : vector<632x512xi32>
    %lt3A_30 = arith.constant 0 : i32
    %lt3A_31 = arith.cmpi slt, %select_n3A, %lt3A_30 : i32
    %ne3A_32 = vector.broadcast %lt3A_31 : i1 to vector<632x512xi1>
    %ne3A_33 = vector.broadcast %ne3A_32 : vector<632x512xi1> to vector<632x512xi1>
    %ne3A_34 = arith.xori %lt3A_29, %ne3A_33 : vector<632x512xi1>
    %and3A = arith.andi %ne3A_34, %ne3A_26 : vector<632x512xi1>
    %add3A_35 = vector.broadcast %select_n3A : i32 to vector<632x512xi32>
    %add3A_36 = arith.addi %rem3A_24, %add3A_35 : vector<632x512xi32>
    %select_n3A_37 = arith.select %and3A, %add3A_36, %rem3A_24 : vector<632x512xi1>, vector<632x512xi32>
    %select_n3A_38 = arith.select %lt3A_15, %add3A_19, %select_n3A_37 : vector<632x512xi1>, vector<632x512xi32>
    %swap3A = arith.constant 0 : index
    %swap3A_39 = arith.constant 0 : index
    %swap3A_40 = vector.load %arg3[%swap3A, %swap3A_39] : memref<632x512xi32, #tpu.memory_space<vmem>>, vector<632x512xi32>
    tpu.vector_store %arg3[%swap3A, %swap3A_39], %select_n3A_38 {strides = array<i32>} : memref<632x512xi32, #tpu.memory_space<vmem>>, vector<632x512xi32>,
    %sub3A_41 = arith.constant 320000 : i32
    %sub3A_42 = vector.broadcast %sub3A_41 : i32 to vector<632x512xi32>
    %sub3A_43 = arith.subi %add3A, %sub3A_42 : vector<632x512xi32>
    %jit3A_44 = arith.constant 112 : i32
    %eq3A_45 = arith.constant 0 : i32
    %eq3A_46 = arith.cmpi eq, %jit3A_44, %eq3A_45 : i32
    %jit3A_47 = arith.constant 1 : i32
    %select_n3A_48 = arith.select %eq3A_46, %jit3A_47, %jit3A_44 : i32
    %rem3A_49 = vector.broadcast %select_n3A_48 : i32 to vector<632x512xi32>
    %rem3A_50 = arith.remsi %sub3A_43, %rem3A_49 : vector<632x512xi32>
    %ne3A_51 = arith.constant 0 : i32
    %ne3A_52 = vector.broadcast %ne3A_51 : i32 to vector<632x512xi32>
    %ne3A_53 = arith.cmpi ne, %rem3A_50, %ne3A_52 : vector<632x512xi32>
    %lt3A_54 = arith.constant 0 : i32
    %lt3A_55 = vector.broadcast %lt3A_54 : i32 to vector<632x512xi32>
    %lt3A_56 = arith.cmpi slt, %rem3A_50, %lt3A_55 : vector<632x512xi32>
    %lt3A_57 = arith.constant 0 : i32
    %lt3A_58 = arith.cmpi slt, %select_n3A_48, %lt3A_57 : i32
    %ne3A_59 = vector.broadcast %lt3A_58 : i1 to vector<632x512xi1>
    %ne3A_60 = vector.broadcast %ne3A_59 : vector<632x512xi1> to vector<632x512xi1>
    %ne3A_61 = arith.xori %lt3A_56, %ne3A_60 : vector<632x512xi1>
    %and3A_62 = arith.andi %ne3A_61, %ne3A_53 : vector<632x512xi1>
    %add3A_63 = vector.broadcast %select_n3A_48 : i32 to vector<632x512xi32>
    %add3A_64 = arith.addi %rem3A_50, %add3A_63 : vector<632x512xi32>
    %select_n3A_65 = arith.select %and3A_62, %add3A_64, %rem3A_50 : vector<632x512xi1>, vector<632x512xi32>
    %add3A_66 = arith.constant 10000 : i32
    %add3A_67 = vector.broadcast %add3A_66 : i32 to vector<632x512xi32>
    %add3A_68 = arith.addi %add3A_67, %select_n3A_65 : vector<632x512xi32>
    %select_n3A_69 = arith.select %lt3A_15, %concatenate3A_10, %add3A_68 : vector<632x512xi1>, vector<632x512xi32>
    %swap3A_70 = arith.constant 0 : index
    %swap3A_71 = arith.constant 0 : index
    %swap3A_72 = vector.load %arg4[%swap3A_70, %swap3A_71] : memref<632x512xi32, #tpu.memory_space<vmem>>, vector<632x512xi32>
    tpu.vector_store %arg4[%swap3A_70, %swap3A_71], %select_n3A_69 {strides = array<i32>} : memref<632x512xi32, #tpu.memory_space<vmem>>, vector<632x512xi32>,
    return
  }
}

module attributes {stable_mosaic.version = 14 : i64} {
  func.func @body(%arg0: i32, %arg1: i32, %arg2: memref<1x1x8xf32, #tpu.memory_space<vmem>>, %arg3: memref<8x128x128xf32, #tpu.memory_space<vmem>>, %arg4: memref<2000x128xf32, #tpu.memory_space<vmem>>, %arg5: memref<2000x128xf32, #tpu.memory_space<vmem>>) attributes {dimension_semantics = [#tpu.dimension_semantics<arbitrary>, #tpu.dimension_semantics<arbitrary>], iteration_bounds = array<i64: 5, 32>, scalar_prefetch = 0 : i64, scratch_operands = 0 : i64, tpu.core_type = #tpu.core_type<tc>, window_params = [{transform_indices = @transform_0, window_bounds = array<i64: 1, 1, 8>}, {pipeline_mode = #tpu.pipeline_mode<synchronous>, transform_indices = @transform_1, window_bounds = array<i64: 8, 128, 128>}, {transform_indices = @transform_2, window_bounds = array<i64: 2000, 128>}, {transform_indices = @transform_3, window_bounds = array<i64: 2000, 128>}]} {
    %get3A = arith.constant 0 : index
    %get3A_0 = arith.constant 0 : index
    %get3A_1 = arith.constant 0 : index
    %get3A_2 = vector.load %arg3[%get3A, %get3A_0, %get3A_1] : memref<8x128x128xf32, #tpu.memory_space<vmem>>, vector<1x128x128xf32>
    %get3A_3 = vector.shape_cast %get3A_2 : vector<1x128x128xf32> to vector<128x128xf32>
    %get3A_4 = arith.constant 0 : index
    %get3A_5 = arith.constant 0 : index
    %get3A_6 = arith.constant 0 : index
    %get3A_7 = vector.load %arg2[%get3A_4, %get3A_5, %get3A_6] : memref<1x1x8xf32, #tpu.memory_space<vmem>>, vector<1x1x1xf32>
    %get3A_8 = vector.extract %get3A_7[0, 0, 0] : f32 from vector<1x1x1xf32>
    %mul3A = vector.broadcast %get3A_8 : f32 to vector<128x128xf32>
    %mul3A_9 = arith.mulf %get3A_3, %mul3A : vector<128x128xf32>
    %get3A_10 = arith.constant 1 : index
    %get3A_11 = arith.constant 0 : index
    %get3A_12 = arith.constant 0 : index
    %get3A_13 = vector.load %arg3[%get3A_10, %get3A_11, %get3A_12] : memref<8x128x128xf32, #tpu.memory_space<vmem>>, vector<1x128x128xf32>
    %get3A_14 = vector.shape_cast %get3A_13 : vector<1x128x128xf32> to vector<128x128xf32>
    %get3A_15 = arith.constant 0 : index
    %get3A_16 = arith.constant 0 : index
    %get3A_17 = arith.constant 1 : index
    %get3A_18 = vector.load %arg2[%get3A_15, %get3A_16, %get3A_17] : memref<1x1x8xf32, #tpu.memory_space<vmem>>, vector<1x1x1xf32>
    %get3A_19 = vector.extract %get3A_18[0, 0, 0] : f32 from vector<1x1x1xf32>
    %mul3A_20 = vector.broadcast %get3A_19 : f32 to vector<128x128xf32>
    %mul3A_21 = arith.mulf %get3A_14, %mul3A_20 : vector<128x128xf32>
    %add3A = arith.addf %mul3A_9, %mul3A_21 : vector<128x128xf32>
    %get3A_22 = arith.constant 2 : index
    %get3A_23 = arith.constant 0 : index
    %get3A_24 = arith.constant 0 : index
    %get3A_25 = vector.load %arg3[%get3A_22, %get3A_23, %get3A_24] : memref<8x128x128xf32, #tpu.memory_space<vmem>>, vector<1x128x128xf32>
    %get3A_26 = vector.shape_cast %get3A_25 : vector<1x128x128xf32> to vector<128x128xf32>
    %get3A_27 = arith.constant 0 : index
    %get3A_28 = arith.constant 0 : index
    %get3A_29 = arith.constant 2 : index
    %get3A_30 = vector.load %arg2[%get3A_27, %get3A_28, %get3A_29] : memref<1x1x8xf32, #tpu.memory_space<vmem>>, vector<1x1x1xf32>
    %get3A_31 = vector.extract %get3A_30[0, 0, 0] : f32 from vector<1x1x1xf32>
    %mul3A_32 = vector.broadcast %get3A_31 : f32 to vector<128x128xf32>
    %mul3A_33 = arith.mulf %get3A_26, %mul3A_32 : vector<128x128xf32>
    %add3A_34 = arith.addf %add3A, %mul3A_33 : vector<128x128xf32>
    %get3A_35 = arith.constant 3 : index
    %get3A_36 = arith.constant 0 : index
    %get3A_37 = arith.constant 0 : index
    %get3A_38 = vector.load %arg3[%get3A_35, %get3A_36, %get3A_37] : memref<8x128x128xf32, #tpu.memory_space<vmem>>, vector<1x128x128xf32>
    %get3A_39 = vector.shape_cast %get3A_38 : vector<1x128x128xf32> to vector<128x128xf32>
    %get3A_40 = arith.constant 0 : index
    %get3A_41 = arith.constant 0 : index
    %get3A_42 = arith.constant 3 : index
    %get3A_43 = vector.load %arg2[%get3A_40, %get3A_41, %get3A_42] : memref<1x1x8xf32, #tpu.memory_space<vmem>>, vector<1x1x1xf32>
    %get3A_44 = vector.extract %get3A_43[0, 0, 0] : f32 from vector<1x1x1xf32>
    %mul3A_45 = vector.broadcast %get3A_44 : f32 to vector<128x128xf32>
    %mul3A_46 = arith.mulf %get3A_39, %mul3A_45 : vector<128x128xf32>
    %add3A_47 = arith.addf %add3A_34, %mul3A_46 : vector<128x128xf32>
    %get3A_48 = arith.constant 4 : index
    %get3A_49 = arith.constant 0 : index
    %get3A_50 = arith.constant 0 : index
    %get3A_51 = vector.load %arg3[%get3A_48, %get3A_49, %get3A_50] : memref<8x128x128xf32, #tpu.memory_space<vmem>>, vector<1x128x128xf32>
    %get3A_52 = vector.shape_cast %get3A_51 : vector<1x128x128xf32> to vector<128x128xf32>
    %get3A_53 = arith.constant 0 : index
    %get3A_54 = arith.constant 0 : index
    %get3A_55 = arith.constant 4 : index
    %get3A_56 = vector.load %arg2[%get3A_53, %get3A_54, %get3A_55] : memref<1x1x8xf32, #tpu.memory_space<vmem>>, vector<1x1x1xf32>
    %get3A_57 = vector.extract %get3A_56[0, 0, 0] : f32 from vector<1x1x1xf32>
    %mul3A_58 = vector.broadcast %get3A_57 : f32 to vector<128x128xf32>
    %mul3A_59 = arith.mulf %get3A_52, %mul3A_58 : vector<128x128xf32>
    %add3A_60 = arith.addf %add3A_47, %mul3A_59 : vector<128x128xf32>
    %get3A_61 = arith.constant 5 : index
    %get3A_62 = arith.constant 0 : index
    %get3A_63 = arith.constant 0 : index
    %get3A_64 = vector.load %arg3[%get3A_61, %get3A_62, %get3A_63] : memref<8x128x128xf32, #tpu.memory_space<vmem>>, vector<1x128x128xf32>
    %get3A_65 = vector.shape_cast %get3A_64 : vector<1x128x128xf32> to vector<128x128xf32>
    %get3A_66 = arith.constant 0 : index
    %get3A_67 = arith.constant 0 : index
    %get3A_68 = arith.constant 5 : index
    %get3A_69 = vector.load %arg2[%get3A_66, %get3A_67, %get3A_68] : memref<1x1x8xf32, #tpu.memory_space<vmem>>, vector<1x1x1xf32>
    %get3A_70 = vector.extract %get3A_69[0, 0, 0] : f32 from vector<1x1x1xf32>
    %mul3A_71 = vector.broadcast %get3A_70 : f32 to vector<128x128xf32>
    %mul3A_72 = arith.mulf %get3A_65, %mul3A_71 : vector<128x128xf32>
    %add3A_73 = arith.addf %add3A_60, %mul3A_72 : vector<128x128xf32>
    %get3A_74 = arith.constant 6 : index
    %get3A_75 = arith.constant 0 : index
    %get3A_76 = arith.constant 0 : index
    %get3A_77 = vector.load %arg3[%get3A_74, %get3A_75, %get3A_76] : memref<8x128x128xf32, #tpu.memory_space<vmem>>, vector<1x128x128xf32>
    %get3A_78 = vector.shape_cast %get3A_77 : vector<1x128x128xf32> to vector<128x128xf32>
    %get3A_79 = arith.constant 0 : index
    %get3A_80 = arith.constant 0 : index
    %get3A_81 = arith.constant 6 : index
    %get3A_82 = vector.load %arg2[%get3A_79, %get3A_80, %get3A_81] : memref<1x1x8xf32, #tpu.memory_space<vmem>>, vector<1x1x1xf32>
    %get3A_83 = vector.extract %get3A_82[0, 0, 0] : f32 from vector<1x1x1xf32>
    %mul3A_84 = vector.broadcast %get3A_83 : f32 to vector<128x128xf32>
    %mul3A_85 = arith.mulf %get3A_78, %mul3A_84 : vector<128x128xf32>
    %add3A_86 = arith.addf %add3A_73, %mul3A_85 : vector<128x128xf32>
    %get3A_87 = arith.constant 7 : index
    %get3A_88 = arith.constant 0 : index
    %get3A_89 = arith.constant 0 : index
    %get3A_90 = vector.load %arg3[%get3A_87, %get3A_88, %get3A_89] : memref<8x128x128xf32, #tpu.memory_space<vmem>>, vector<1x128x128xf32>
    %get3A_91 = vector.shape_cast %get3A_90 : vector<1x128x128xf32> to vector<128x128xf32>
    %get3A_92 = arith.constant 0 : index
    %get3A_93 = arith.constant 0 : index
    %get3A_94 = arith.constant 7 : index
    %get3A_95 = vector.load %arg2[%get3A_92, %get3A_93, %get3A_94] : memref<1x1x8xf32, #tpu.memory_space<vmem>>, vector<1x1x1xf32>
    %get3A_96 = vector.extract %get3A_95[0, 0, 0] : f32 from vector<1x1x1xf32>
    %mul3A_97 = vector.broadcast %get3A_96 : f32 to vector<128x128xf32>
    %mul3A_98 = arith.mulf %get3A_91, %mul3A_97 : vector<128x128xf32>
    %add3A_99 = arith.addf %add3A_86, %mul3A_98 : vector<128x128xf32>
    %get3A_100 = arith.constant 0 : index
    %get3A_101 = arith.constant 0 : index
    %get3A_102 = vector.load %arg4[%get3A_100, %get3A_101] : memref<2000x128xf32, #tpu.memory_space<vmem>>, vector<2000x128xf32>
    %dot_general3A = arith.constant dense<0.000000e+00> : vector<2000x128xf32>
    %dot_general3A_103 = tpu.matmul %get3A_102, %add3A_99, %dot_general3A {dimension_numbers = #tpu.dot_dimension_numbers<[1], [0], [0], [1], [0, 0, 1, 1], [], []>, transpose_lhs_hint = false} : vector<2000x128xf32>, vector<128x128xf32>, vector<2000x128xf32> -> vector<2000x128xf32>
    %swap3A = arith.constant 0 : index
    %swap3A_104 = arith.constant 0 : index
    %swap3A_105 = vector.load %arg5[%swap3A, %swap3A_104] : memref<2000x128xf32, #tpu.memory_space<vmem>>, vector<2000x128xf32>
    tpu.vector_store %arg5[%swap3A, %swap3A_104], %dot_general3A_103 {strides = array<i32>} : memref<2000x128xf32, #tpu.memory_space<vmem>>, vector<2000x128xf32>,
    return
  }
  func.func @transform_0(%arg0: i32, %arg1: i32) -> (i32, i32, i32) {
    %c0_i32 = arith.constant 0 : i32
    %c0_i32_0 = arith.constant 0 : i32
    %c0_i32_1 = arith.constant 0 : i32
    return %arg1, %c0_i32, %c0_i32_0 : i32, i32, i32
  }
  func.func @transform_1(%arg0: i32, %arg1: i32) -> (i32, i32, i32) {
    %c0_i32 = arith.constant 0 : i32
    %c0_i32_0 = arith.constant 0 : i32
    %c0_i32_1 = arith.constant 0 : i32
    %c0_i32_2 = arith.constant 0 : i32
    return %c0_i32, %c0_i32_0, %c0_i32_1 : i32, i32, i32
  }
  func.func @transform_2(%arg0: i32, %arg1: i32) -> (i32, i32) {
    %c0_i32 = arith.constant 0 : i32
    %c0_i32_0 = arith.constant 0 : i32
    return %arg0, %c0_i32 : i32, i32
  }
  func.func @transform_3(%arg0: i32, %arg1: i32) -> (i32, i32) {
    %mul3A = arith.constant 5 : i32
    %mul3A_0 = arith.muli %arg1, %mul3A : i32
    %add3A = arith.addi %mul3A_0, %arg0 : i32
    %c0_i32 = arith.constant 0 : i32
    %c0_i32_1 = arith.constant 0 : i32
    return %add3A, %c0_i32 : i32, i32
  }
}

module attributes {stable_mosaic.version = 14 : i64} {
  func.func @body(%arg0: i32, %arg1: memref<2x2000x128xf32, #tpu.memory_space<vmem>>, %arg2: memref<2000x128xf32, #tpu.memory_space<vmem>>, %arg3: memref<128x128xf32, #tpu.memory_space<vmem>>, %arg4: memref<2000x128xf32, #tpu.memory_space<vmem>>) attributes {dimension_semantics = [#tpu.dimension_semantics<arbitrary>], iteration_bounds = array<i64: 5>, scalar_prefetch = 0 : i64, scratch_operands = 0 : i64, tpu.core_type = #tpu.core_type<tc>, window_params = [{transform_indices = @transform_0, window_bounds = array<i64: 2, 2000, 128>}, {transform_indices = @transform_1, window_bounds = array<i64: 2000, 128>}, {pipeline_mode = #tpu.pipeline_mode<synchronous>, transform_indices = @transform_2, window_bounds = array<i64: 128, 128>}, {transform_indices = @transform_3, window_bounds = array<i64: 2000, 128>}]} {
    %get3A = arith.constant 0 : index
    %get3A_0 = arith.constant 0 : index
    %get3A_1 = arith.constant 0 : index
    %get3A_2 = vector.load %arg1[%get3A, %get3A_0, %get3A_1] : memref<2x2000x128xf32, #tpu.memory_space<vmem>>, vector<1x2000x128xf32>
    %get3A_3 = vector.shape_cast %get3A_2 : vector<1x2000x128xf32> to vector<2000x128xf32>
    %get3A_4 = arith.constant 1 : index
    %get3A_5 = arith.constant 0 : index
    %get3A_6 = arith.constant 0 : index
    %get3A_7 = vector.load %arg1[%get3A_4, %get3A_5, %get3A_6] : memref<2x2000x128xf32, #tpu.memory_space<vmem>>, vector<1x2000x128xf32>
    %get3A_8 = vector.shape_cast %get3A_7 : vector<1x2000x128xf32> to vector<2000x128xf32>
    %add3A = arith.addf %get3A_3, %get3A_8 : vector<2000x128xf32>
    %get3A_9 = arith.constant 0 : index
    %get3A_10 = arith.constant 0 : index
    %get3A_11 = vector.load %arg2[%get3A_9, %get3A_10] : memref<2000x128xf32, #tpu.memory_space<vmem>>, vector<2000x128xf32>
    %get3A_12 = arith.constant 0 : index
    %get3A_13 = arith.constant 0 : index
    %get3A_14 = vector.load %arg3[%get3A_12, %get3A_13] : memref<128x128xf32, #tpu.memory_space<vmem>>, vector<128x128xf32>
    %dot_general3A = arith.constant dense<0.000000e+00> : vector<2000x128xf32>
    %dot_general3A_15 = tpu.matmul %get3A_11, %get3A_14, %dot_general3A {dimension_numbers = #tpu.dot_dimension_numbers<[1], [0], [0], [1], [0, 0, 1, 1], [], []>, transpose_lhs_hint = false} : vector<2000x128xf32>, vector<128x128xf32>, vector<2000x128xf32> -> vector<2000x128xf32>
    %add3A_16 = arith.addf %add3A, %dot_general3A_15 : vector<2000x128xf32>
    %swap3A = arith.constant 0 : index
    %swap3A_17 = arith.constant 0 : index
    %swap3A_18 = vector.load %arg4[%swap3A, %swap3A_17] : memref<2000x128xf32, #tpu.memory_space<vmem>>, vector<2000x128xf32>
    tpu.vector_store %arg4[%swap3A, %swap3A_17], %add3A_16 {strides = array<i32>} : memref<2000x128xf32, #tpu.memory_space<vmem>>, vector<2000x128xf32>,
    return
  }
  func.func @transform_0(%arg0: i32) -> (i32, i32, i32) {
    %c0_i32 = arith.constant 0 : i32
    %c0_i32_0 = arith.constant 0 : i32
    %c0_i32_1 = arith.constant 0 : i32
    return %c0_i32, %arg0, %c0_i32_0 : i32, i32, i32
  }
  func.func @transform_1(%arg0: i32) -> (i32, i32) {
    %c0_i32 = arith.constant 0 : i32
    %c0_i32_0 = arith.constant 0 : i32
    return %arg0, %c0_i32 : i32, i32
  }
  func.func @transform_2(%arg0: i32) -> (i32, i32) {
    %c0_i32 = arith.constant 0 : i32
    %c0_i32_0 = arith.constant 0 : i32
    %c0_i32_1 = arith.constant 0 : i32
    return %c0_i32, %c0_i32_0 : i32, i32
  }
  func.func @transform_3(%arg0: i32) -> (i32, i32) {
    %c0_i32 = arith.constant 0 : i32
    %c0_i32_0 = arith.constant 0 : i32
    return %arg0, %c0_i32 : i32, i32
  }
}

</mosaic_0001>

<sc_bundles>
// kernel: kernel.6.cloned.1.call-start
scs
__scs_entry_jumppad:
0x0: {  	(pc) =	sbr.rel $0x88, $3  }
0x1: {  	(tag) =	ssettag $0x0;
	lr =	simm.s32 $0x1  }
0x2: {  	[smem:$0x3F9B] =	sst lr;
	_ =	strace $0xD0000000  }
0x3: {  	_ = 	snop  }
0x4: {  	_ = 	snop  }
0x5: {  	_ = 	snop  }
0x6: {  	_ = 	snop  }
0x7: {  	_ = 	snop  }
__scs_overlays_trampoline_lowered:
0x8: {  	[smem:$0x3FAA] =	sst s0  }
0x9: {  	[smem:$0x3FAB] =	sst s1  }
0xa: {  	[smem:$0x3FAC] =	sst s2  }
0xb: {  	[smem:$0x3FAD] =	sst s3  }
0xc: {  	[smem:$0x3FAE] =	sst s4  }
0xd: {  	[smem:$0x3FAF] =	sst s5  }
0xe: {  	[smem:$0x3FB0] =	sst s6  }
0xf: {  	[smem:$0x3FB1] =	sst s7  }
0x10: {  	[smem:$0x3FB2] =	sst s8  }
0x11: {  	[smem:$0x3FB3] =	sst s9;
	s0 =	simm.s32 @!p0 $0x0  }
0x12: {  	s1 =	sld [smem:$0x3F99];
	s0 =	simm.s32 @p0 $0x1  }
0x13: {  	[smem:$0x3FB4] =	sst s0;
	s0 =	simm.s32 @!p1 $0x0  }
0x14: {  	s2 =	sld [smem:$0x3F98];
	s0 =	simm.s32 @p1 $0x1  }
0x15: {  	[smem:$0x3FB5] =	sst s0;
	s0 =	simm.s32 @!p2 $0x0  }
0x16: {  	s3 =	sld [smem:$0x3FDB];
	s0 =	simm.s32 @p2 $0x1  }
0x17: {  	s4 =	simm.s32 $0x1BF5;
	[smem:$0x3FB7] =	sst s0  }
0x18: {  	s0 =	sld [smem:$0x3F9A];
	_ =	swait.ge [sflag:s4], $0x0  }
0x19: {  	s7 =	sld [smem:$0x3F9B]  }
0x1a: {  	s8 =	sadd.s32 $0xFFFFE003, lr  }
0x1b: {  	s9 =	sadd.s32 $0xFFFFFEF7, lr;
	s5 =	simm.s32 $0xFFFFFFFF;
	p2 =	slt.u32 s8, $0xFFFFF086  }
0x1c: {  	p1 =	slt.u32 s9, $0xF7A;
	s5 =	simm.s32 @!p2 $0x0  }
0x1d: {  	s5 =	simm.s32 @p1 $0x1;
	p0 =	seq.s32 s7, s2  }
0x1e: {  	s7 =	smul.u32 @!p0 $0xF7A, s2;
	p2 =	seq.s32 @!p0 s5, $0x0  }
0x1f: {  	s9 =	smul.u32 $0xF7A, s1;
	s8 =	simm.s32 @!p0 $0x1BF5;
	p2 =	por !p2, p0  }
0x20: {  	[sflag:s8] =	ssyncset.s32 @!p0 $0xFFFFF086;
	s6 =	sadd.s32 @!p0 s3, s7;
	s7 =	simm.s32 @!p0 $0x108  }
0x21: {  	s3 =	sadd.s32 s3, s9;
	s6 =	sadd.s32 @!p0 $0x88, s6;
	s7 =	simm.s32 @p2 $0x1082  }
0x22: {  	[simem:s7], [sflag:s8] =	dma.local @!p0 [hbm:s6], $0xF7A  }
0x23: {  	s9 =	sor.u32 $0xD0000000, s2;
	s6 =	simm.s32 $0x108;
	_ =	swait.ge @!p0 [sflag:s8], $0x0  }
0x24: {  	s3 =	sadd.s32 $0x88, s3;
	s6 =	simm.s32 @!p1 $0x1082;
	[sflag:s4] =	ssyncset.s32 $0xFFFFF086  }
0x25: {  	[simem:s6], [sflag:s4] =	dma.local [hbm:s3], $0xF7A  }
0x26: {  	[smem:$0x3F9B] =	sst s1;
	(tag) =	ssettag s2;
	_ =	strace s9  }
0x27: {  	s1 =	sld [smem:$0x3FAB]  }
0x28: {  	s2 =	sld [smem:$0x3FAC]  }
0x29: {  	s4 =	sld [smem:$0x3FAE]  }
0x2a: {  	p0 =	seq.s32 s5, $0x0;
	s5 =	sld [smem:$0x3FAF]  }
0x2b: {  	s6 =	sld [smem:$0x3FB0]  }
0x2c: {  	s7 =	sld [smem:$0x3FB1]  }
0x2d: {  	s3 =	simm.s32 $0x108;
	s8 =	sld [smem:$0x3FB2]  }
0x2e: {  	s3 =	simm.s32 @!p0 $0x1082;
	s9 =	sld [smem:$0x3FB3]  }
0x2f: {  	lr =	sadd.s32 s0, s3;
	s0 =	sld [smem:$0x3FAA]  }
0x30: {  	s3 =	sld [smem:$0x3FAD]  }
0x31: {  	[smem:$0x3FB6] =	sst s10  }
0x32: {  	s10 =	sld [smem:$0x3FB4];
	_ =	sdelay $0x3  }
0x33: {  	p0 =	seq.s32 s10, $0x1;
	s10 =	sld [smem:$0x3FB6];
	_ =	sdelay $0x3  }
0x34: {  	[smem:$0x3FB6] =	sst s10  }
0x35: {  	s10 =	sld [smem:$0x3FB5];
	_ =	sdelay $0x3  }
0x36: {  	p1 =	seq.s32 s10, $0x1;
	s10 =	sld [smem:$0x3FB6];
	_ =	sdelay $0x3  }
0x37: {  	[smem:$0x3FB6] =	sst s10  }
0x38: {  	s10 =	sld [smem:$0x3FB7]  }
0x39: {  	_ = 	snop;
	(pc) =	sbr.ind lr, $3  }
0x3a: {  	_ = 	snop  }
0x3b: {  	_ = 	snop  }
0x3c: {  	p2 =	seq.s32 s10, $0x1;
	s10 =	sld [smem:$0x3FB6]  }
0x3d: {  	_ =	shalt  }
0x3e: {  	_ =	shalt  }
0x3f: {  	_ =	shalt  }
0x40: {  	_ =	shalt  }
0x41: {  	_ =	shalt  }
0x42: {  	_ =	shalt  }
0x43: {  	_ =	shalt  }
0x44: {  	_ =	shalt  }
0x45: {  	_ =	shalt  }
0x46: {  	_ =	shalt  }
0x47: {  	_ =	shalt  }
0x48: {  	_ =	shalt  }
0x49: {  	_ =	shalt  }
0x4a: {  	_ =	shalt  }
0x4b: {  	_ =	shalt  }
0x4c: {  	_ =	shalt  }
0x4d: {  	_ =	shalt  }
0x4e: {  	_ =	shalt  }
0x4f: {  	_ =	shalt  }
0x50: {  	_ =	shalt  }
0x51: {  	_ =	shalt  }
0x52: {  	_ =	shalt  }
0x53: {  	_ =	shalt  }
0x54: {  	_ =	shalt  }
0x55: {  	_ =	shalt  }
0x56: {  	_ =	shalt  }
0x57: {  	_ =	shalt  }
0x58: {  	_ =	shalt  }
0x59: {  	_ =	shalt  }
0x5a: {  	_ =	shalt  }
0x5b: {  	_ =	shalt  }
0x5c: {  	_ =	shalt  }
0x5d: {  	_ =	shalt  }
0x5e: {  	_ =	shalt  }
0x5f: {  	_ =	shalt  }
0x60: {  	_ =	shalt  }
0x61: {  	_ =	shalt  }
0x62: {  	_ =	shalt  }
0x63: {  	_ =	shalt  }
0x64: {  	_ =	shalt  }
0x65: {  	_ =	shalt  }
0x66: {  	_ =	shalt  }
0x67: {  	_ =	shalt  }
0x68: {  	_ =	shalt  }
0x69: {  	_ =	shalt  }
0x6a: {  	_ =	shalt  }
0x6b: {  	_ =	shalt  }
0x6c: {  	_ =	shalt  }
0x6d: {  	_ =	shalt  }
0x6e: {  	_ =	shalt  }
0x6f: {  	_ =	shalt  }
0x70: {  	_ =	shalt  }
0x71: {  	_ =	shalt  }
0x72: {  	_ =	shalt  }
0x73: {  	_ =	shalt  }
0x74: {  	_ =	shalt  }
0x75: {  	_ =	shalt  }
0x76: {  	_ =	shalt  }
0x77: {  	_ =	shalt  }
0x78: {  	_ =	shalt  }
0x79: {  	_ =	shalt  }
0x7a: {  	_ =	shalt  }
0x7b: {  	_ =	shalt  }
0x7c: {  	_ =	shalt  }
0x7d: {  	_ =	shalt  }
0x7e: {  	_ =	shalt  }
0x7f: {  	_ =	shalt  }
0x80: {  	_ =	shalt  }
0x81: {  	_ =	shalt  }
0x82: {  	_ =	shalt  }
0x83: {  	_ =	shalt  }
0x84: {  	_ =	shalt  }
0x85: {  	_ =	shalt  }
0x86: {  	_ =	shalt  }
0x87: {  	_ =	shalt  }
.Lfunc_end0:
.L_simem_size_0:
called_computation_lowered:
.L_overlay_start_0:
0x88: {  	s2 =	sld [smem:$0x3FD9]  }
0x89: {  	s3 =	sld [smem:$0x3FFE];
	_ =	sdelay $0x1  }
0x8a: {  	s1 =	srdreg.scid  }
0x8b: {  	s0 =	sand.u32 $0x1, s1  }
0x8c: {  	s17 =	sshll.u32 s0, $0xA;
	s2 =	sadd.s32 s3, s2  }
0x8d: {  	s2 =	sadd.s32 s2, s17  }
0x8e: {  	[smem:$0x3FC2] =	sst s2  }
0x8f: {  	_ = 	snop  }
0x90: {  	s2 =	sld [smem:$0x3FD0];
	(tm) =	ssettm $0x1  }
0x91: {  	s18 =	sld [smem:$0x3FFB];
	_ =	sdelay $0x3  }
0x92: {  	_ =	strace s18  }
0x93: {  	s3 =	sld [smem:$0x3FFC];
	_ =	sdelay $0x3  }
0x94: {  	_ =	strace s3  }
0x95: {  	s3 =	sld [smem:$0x3FFD];
	_ =	sdelay $0x3  }
0x96: {  	_ =	strace s3  }
0x97: {  	_ =	strace $0x8FFFFFFF  }
0x98: {  	s19 =	sld [smem:$0x3FDB];
	_ =	sdelay $0x1  }
0x99: {  	s4 =	simm.s32 $_scs_section_size  }
0x9a: {  	s5 =	simm.s32 $_size__tile_overlayer_lowered;
	s6 =	simm.s32 $_tile_overlayer_lowered  }
0x9b: {  	s22 =	simm.s32 $0x1BFF;
	s21 =	sshll.u32 s6, $0x1;
	s3 =	sadd.s32 s4, s19  }
0x9c: {  	s7 =	simm.s32 $0x0;
	s20 =	sshll.u32 s5, $0x1;
	s5 =	sadd.s32 s21, s3  }
0x9d: {  	[timem:s7], [sflag:s22] =	dma.local [hbm:s5], s20  }
0x9e: {  	_ =	swait.ge [sflag:s22], s20  }
0x9f: {  	s4 =	ssub.s32 $0x0, s20;
	[sflag:s22] =	ssyncset.done $0x0  }
0xa0: {  	[sflag:s22] =	ssyncadd.s32 s4;
	_ =	sdelay $0x1  }
0xa1: {  	s23 =	simm.s32 $0x1B8B  }
0xa2: {  	_ =	swait.ge [sflag:s23], $0x1  }
0xa3: {  	[sflag:s23] =	ssyncset.done $0x0  }
0xa4: {  	s25 =	simm.s32 $0x1B8E;
	s24 =	sld [smem:$0x3FFE];
	[sflag:s23] =	ssyncadd.s32 $0xFFFFFFFF  }
0xa5: {  	s26 =	simm.s32 $execute0_lowered;
	[smem:$0x3FD2] =	sst s25  }
0xa6: {  	s5 =	sshll.u32 s26, $0x1;
	_ =	strace $0x80000046;
	[dreg:$0x1] =	wrdreg $0xFFFFFFFF  }
0xa7: {  	s28 =	simm.s32 $_size_execute0_lowered;
	s3 =	sadd.s32 s3, s5;
	[dreg:$0x0] =	wrdreg $0x0  }
0xa8: {  	s5 =	sshll.u32 s28, $0x1;
	[dreg:$0x2] =	wrdreg s3  }
0xa9: {  	[dreg:$0x3] =	wrdreg s5  }
0xaa: {  	[dreg:$0x4] =	wrdreg $0xC0  }
0xab: {  	_ =	task [dreg:s7], $0x5FFFF  }
0xac: {  	[dreg:$0x1] =	wrdreg $0xFFFFFFFF  }
0xad: {  	[dreg:$0x0] =	wrdreg $0x60  }
0xae: {  	[dreg:$0x2] =	wrdreg s24  }
0xaf: {  	[dreg:$0x3] =	wrdreg s2  }
0xb0: {  	[dreg:$0x4] =	wrdreg $0xA9000  }
0xb1: {  	[dreg:$0x5] =	wrdreg $0x9  }
0xb2: {  	_ =	task.clear_ibuf [dreg:s7], $0x6FFFF;
	_ =	strace $0x90000046  }
0xb3: {  	s29 =	simm.s32 $0x9;
	_ =	strace $0x80000048  }
0xb4: {  	_ =	swait.ge [sflag:s29], $0x1  }
0xb5: {  	[sflag:s29] =	ssyncadd.s32 $0xFFFFFFFF  }
0xb6: {  	_ =	strace $0x90000048  }
0xb7: {  	_ =	sfence  }
0xb8: {  	s30 =	sld [smem:$0x0];
	_ =	sdelay $0x2  }
0xb9: {  	s31 =	sshll.u32 s1, $0xD;
	s1 =	sshrl.u32 s1, $0x2  }
0xba: {  	s3 =	sand.u32 $0x4000, s31;
	s1 =	sadd.s32 s1, s30  }
0xbb: {  	s0 =	sor.u32 s3, s0;
	s1 =	sshll.u32 s1, $0x11  }
0xbc: {  	s0 =	sor.u32 s1, s0  }
0xbd: {  	s0 =	sadd.s32 $0x8F2B, s0  }
0xbe: {  	[sflag:s0] =	ssyncadd.remote.s32 $0x1  }
0xbf: {  	_ =	sfence.sel $0xFFFF  }
0xc0: {  	[dreg:$0x0] =	wrdreg $0xFFFFFFFF;
	(pc) =	sbr.abs _section_cstart, $3  }
0xc1: {  	[dreg:$0x1] =	wrdreg $0xFFFFFFFF  }
0xc2: {  	_ =	task.clear_ibuf [dreg:s7], $0x2FFFF;
	_ =	strace $0x9FFFFFFF  }
0xc3: {  	(tm) =	ssettm $0x7FFFFFFF  }
tec
execute0_lowered:
.L_overlay_start_1:
0x0: {  	(tag) =	ssettag $0x1  }
0x1: {  	s0 =	rddreg [dreg:$0x0]  }
0x2: {  	s6 =	rddreg [dreg:$0x1]  }
0x3: {  	s1 =	rddreg [dreg:$0x2]  }
0x4: {  	s2 =	srdreg.scid;
	s3 =	simm.s32 $0x0;
	s24 =	stileid.u32  }
0x5: {  	s17 =	simm.s32 $0x5;
	s18 =	simm.s32 $0x2900;
	s19 =	simm.s32 $0x80  }
0x6: {  	s20 =	simm.s32 $0x2800;
	s21 =	simm.s32 $0x6900;
	s9 =	smul.u32 $0x13C00, s24  }
0x7: {  	s22 =	simm.s32 $0x2880;
	s23 =	simm.s32 $0x1;
	s12 =	smul.u32 $0x4F000, s24  }
0x8: {  	s28 =	simm.s32 $0x0;
	s7 =	sand.u32 $0x1, s2;
	s15 =	smul.u32 $0x2780, s24  }
0x9: {  	[smem:$0x7FF] =	sst s3;
	s4 =	sadd.s32 $0xAE00, s0;
	s8 =	smul.u32 $0x13C000, s7  }
0xa: {  	s5 =	sshll.u32 s7, $0x4;
	_ =	strace $0x80000047;
	s11 =	ssub.s32 $0x2, s7  }
0xb: {  	s30 =	smul.u32 $0x27800, s7;
	s10 =	sor.u32 s24, s5;
	s5 =	sadd.s32 $0x1000, s0  }
0xc: {  	s26 =	sshrl.u32 s11, $0x1;
	s29 =	sshrl.u32 s12, $0x2;
	s25 =	smul.u32 $0x500, s10  }
0xd: {  	s24 =	simm.s32 $0x3;
	s8 =	sadd.s32 s9, s8;
	s13 =	smul.u32 $0x2780, s10  }
0xe: {  	s14 =	ssub.s32 s11, s26;
	s7 =	sadd.s32 s29, s1;
	s15 =	sadd.s32 s15, s30  }
0xf: {  	s26 =	simm.s32 $0x4;
	s8 =	sshrl.u32 s8, $0x3;
	s9 =	sadd.s32 $0x8000, s7  }
0x10: {  	s10 =	sadd.s32 $0xC000, s7;
	s11 =	sadd.s32 $0x10000, s7;
	s31 =	sadd.s32 $0x80, s15  }
0x11: {  	s14 =	smax.u32 s14, $0x1;
	s15 =	sadd.s32 $0x100, s15;
	s0 =	sadd.s32 s8, s0  }
0x12: {  	s6 =	sadd.s32 s6, s25;
	s8 =	sadd.s32 $0x4000, s7;
	s13 =	sshrl.u32 s13, $0x3  }
0x13: {  	s12 =	sadd.s32 s5, s13;
	s13 =	sadd.s32 $0x4ECE00, s0;
	s0 =	sshrl.u32 s31, $0x3  }
0x14: {  	v0 =	vimm.f32 $0.0e+00;
	s25 =	simm.s32 $0x2;
	[dreg:$0x4] =	wrdreg s6;
	s16 =	sadd.s32 s0, s5  }
.LBB2_1:
0x15: {  	s0 =	rddreg [dreg:$0x4]  }
0x16: {  	[tilespmem:s3], [sflag:$0x5] =	stream.linear.gather [hbm4b:s0+s3], $0x2780, $0x38;
	[tilespmem:$0x1E500] =	vst v63  }
0x17: {  	_ =	swait.ge [sflag:s17], $0x2780  }
0x18: {  	[sflag:s17] =	ssyncset.done $0x0  }
0x19: {  	s29 =	simm.s32 $0x200;
	s0 =	simm.s32 $0x0;
	[sflag:s17] =	ssyncadd.s32 $0xFFFFD880  }
.LBB2_2:
0x1a: {  	p0 =	sne.s32 s29, $0xFE00;
	[tilespmem:s0+$0x2970] =	vst v0  }
0x1b: {  	[tilespmem:s0+$0x2900] =	vst v0  }
0x1c: {  	[tilespmem:s0+$0x2910] =	vst v0  }
.Ltmp0:
0x1d: {  	[tilespmem:s0+$0x2920] =	vst v0;
	(pc) =	sbr.rel @p0 .LBB2_2-.Ltmp0, $4  }
0x1e: {  	[tilespmem:s0+$0x2930] =	vst v0  }
0x1f: {  	[tilespmem:s0+$0x2940] =	vst v0  }
0x20: {  	[tilespmem:s0+$0x2950] =	vst v0  }
0x21: {  	[tilespmem:s0+$0x2960] =	vst v0;
	s0 =	sshra.s32 s29, $0x2;
	s29 =	sadd.s32 $0x200, s29  }
0x22: {  	[tilespmem:s0+$0x2970] =	vst v0  }
0x23: {  	[tilespmem:s0+$0x2900] =	vst v0  }
0x24: {  	[tilespmem:s0+$0x2910] =	vst v0  }
0x25: {  	[tilespmem:s0+$0x2920] =	vst v0  }
0x26: {  	[tilespmem:s0+$0x2930] =	vst v0  }
0x27: {  	[tilespmem:s0+$0x2940] =	vst v0  }
0x28: {  	[tilespmem:s0+$0x2950] =	vst v0  }
0x29: {  	[tilespmem:s0+$0x2960] =	vst v0  }
0x2a: {  	[spmem:s7] =	stream.linear.scatter [tilespmem:s18], [sflag:$0x5], $0x4000, $0x38;
	[tilespmem:$0x1E500] =	vst v63  }
0x2b: {  	_ =	swait.ge [sflag:s17], $0x4000  }
0x2c: {  	[sflag:s17] =	ssyncset.done $0x0  }
0x2d: {  	[sflag:s17] =	ssyncadd.s32 $0xFFFFC000  }
0x2e: {  	[spmem:s8] =	stream.linear.scatter [tilespmem:s18], [sflag:$0x5], $0x4000, $0x38;
	[tilespmem:$0x1E500] =	vst v63  }
0x2f: {  	_ =	swait.ge [sflag:s17], $0x4000  }
0x30: {  	[sflag:s17] =	ssyncset.done $0x0  }
0x31: {  	[sflag:s17] =	ssyncadd.s32 $0xFFFFC000  }
0x32: {  	[spmem:s9] =	stream.linear.scatter [tilespmem:s18], [sflag:$0x5], $0x4000, $0x38;
	[tilespmem:$0x1E500] =	vst v63  }
0x33: {  	_ =	swait.ge [sflag:s17], $0x4000  }
0x34: {  	[sflag:s17] =	ssyncset.done $0x0  }
0x35: {  	[sflag:s17] =	ssyncadd.s32 $0xFFFFC000  }
0x36: {  	[spmem:s10] =	stream.linear.scatter [tilespmem:s18], [sflag:$0x5], $0x4000, $0x38;
	[tilespmem:$0x1E500] =	vst v63  }
0x37: {  	_ =	swait.ge [sflag:s17], $0x4000  }
0x38: {  	[sflag:s17] =	ssyncset.done $0x0  }
0x39: {  	[sflag:s17] =	ssyncadd.s32 $0xFFFFC000  }
0x3a: {  	[spmem:s11] =	stream.linear.scatter [tilespmem:s18], [sflag:$0x5], $0x3C00, $0x38;
	[tilespmem:$0x1E500] =	vst v63  }
0x3b: {  	_ =	swait.ge [sflag:s17], $0x3C00  }
0x3c: {  	[sflag:s17] =	ssyncset.done $0x0  }
0x3d: {  	[sflag:s17] =	ssyncadd.s32 $0xFFFFC400  }
0x3e: {  	s6 =	simm.s32 $0x0;
	[bflag:$0x0] =	sbarrier.arrive $0xFFFF  }
0x3f: {  	[tilespmem:s18], [sflag:$0x1] =	stream.indirect.gather [hbm4b:s4+s19], $0x80, s6, s19, $0xb8;
	[tilespmem:$0x1E500] =	vst v63  }
0x40: {  	_ = 	snop  }
0x41: {  	[tilespmem:s20], [sflag:$0x3] =	stream.linear.gather [hbm4b:s12+s6], $0x80, $0x38;
	[tilespmem:$0x1E500] =	vst v63  }
0x42: {  	s2 =	simm.s32 $0x80  }
0x43: {  	[tilespmem:s21], [sflag:$0x2] =	stream.indirect.gather [hbm4b:s4+s19], $0x80, s2, s19, $0xb8;
	[tilespmem:$0x1E500] =	vst v63  }
0x44: {  	s6 =	sadd.s32 $0x0, s16  }
0x45: {  	[tilespmem:s22], [sflag:$0x4] =	stream.linear.gather [hbm4b:s6+s3], $0x80, $0x38;
	[tilespmem:$0x1E500] =	vst v63  }
0x46: {  	_ =	swait.ge [sflag:s23], $0x4000  }
0x47: {  	[sflag:s23] =	ssyncset.done $0x0  }
0x48: {  	[sflag:s23] =	ssyncadd.s32 $0xFFFFC000  }
0x49: {  	_ =	swait.ge [sflag:s24], $0x80  }
0x4a: {  	[sflag:s24] =	ssyncset.done $0x0  }
0x4b: {  	[sflag:s24] =	ssyncadd.s32 $0xFFFFFF80  }
0x4c: {  	[spmem:s1] =	stream.indirect.scatter.add.f32 [tilespmem:s18], [sflag:$0x5], $0x80, s20, s19, $0xb8;
	[tilespmem:$0x1E500] =	vst v63  }
0x4d: {  	_ =	swait.ge [sflag:s17], $0x4000  }
0x4e: {  	[sflag:s17] =	ssyncset.done $0x0  }
0x4f: {  	s29 =	sshrl.u32 s15, $0x3;
	s2 =	simm.s32 $0x100;
	[sflag:s17] =	ssyncadd.s32 $0xFFFFC000  }
0x50: {  	[tilespmem:s18], [sflag:$0x1] =	stream.indirect.gather [hbm4b:s4+s19], $0x80, s2, s19, $0xb8;
	[tilespmem:$0x1E500] =	vst v63  }
0x51: {  	s6 =	sadd.s32 s5, s29  }
0x52: {  	[tilespmem:s20], [sflag:$0x3] =	stream.linear.gather [hbm4b:s6+s3], $0x80, $0x38;
	[tilespmem:$0x1E500] =	vst v63  }
0x53: {  	_ =	swait.ge [sflag:s25], $0x4000  }
0x54: {  	[sflag:s25] =	ssyncset.done $0x0  }
0x55: {  	[sflag:s25] =	ssyncadd.s32 $0xFFFFC000  }
0x56: {  	_ =	swait.ge [sflag:s26], $0x80  }
0x57: {  	[sflag:s26] =	ssyncset.done $0x0  }
0x58: {  	[sflag:s26] =	ssyncadd.s32 $0xFFFFFF80  }
0x59: {  	[spmem:s1] =	stream.indirect.scatter.add.f32 [tilespmem:s21], [sflag:$0x5], $0x80, s22, s19, $0xb8;
	[tilespmem:$0x1E500] =	vst v63  }
0x5a: {  	s31 =	simm.s32 $0x20;
	s0 =	simm.s32 $0x40;
	_ =	swait.ge [sflag:s17], $0x4000  }
0x5b: {  	s30 =	smov.u32 s15;
	s29 =	simm.s32 $0x200;
	[sflag:s17] =	ssyncset.done $0x0  }
.LBB2_4:
0x5c: {  	s2 =	sadd.s32 $0xFFFFFF80, s29  }
0x5d: {  	[sflag:s17] =	ssyncadd.s32 $0xFFFFC000;
	s30 =	sadd.s32 $0x100, s30;
	s6 =	smov.u32 s0  }
0x5e: {  	[tilespmem:s21], [sflag:$0x2] =	stream.indirect.gather [hbm4b:s4+s19], $0x80, s2, s19, $0xb8;
	[tilespmem:$0x1E500] =	vst v63  }
0x5f: {  	p0 =	sne.s32 s0, $0x4C0;
	s0 =	sadd.s32 $0x20, s0;
	s2 =	sadd.s32 s31, s16  }
0x60: {  	[tilespmem:s22], [sflag:$0x4] =	stream.linear.gather [hbm4b:s2+s3], $0x80, $0x38;
	[tilespmem:$0x1E500] =	vst v63  }
0x61: {  	s31 =	smov.u32 s6;
	_ =	swait.ge [sflag:s23], $0x4000  }
0x62: {  	[sflag:s23] =	ssyncset.done $0x0  }
0x63: {  	[sflag:s23] =	ssyncadd.s32 $0xFFFFC000  }
0x64: {  	_ =	swait.ge [sflag:s24], $0x80  }
0x65: {  	[sflag:s24] =	ssyncset.done $0x0  }
0x66: {  	[sflag:s24] =	ssyncadd.s32 $0xFFFFFF80  }
0x67: {  	[spmem:s1] =	stream.indirect.scatter.add.f32 [tilespmem:s18], [sflag:$0x5], $0x80, s20, s19, $0xb8;
	[tilespmem:$0x1E500] =	vst v63  }
0x68: {  	_ =	swait.ge [sflag:s17], $0x4000  }
0x69: {  	[sflag:s17] =	ssyncset.done $0x0  }
0x6a: {  	s2 =	sshrl.u32 s30, $0x3;
	[sflag:s17] =	ssyncadd.s32 $0xFFFFC000  }
0x6b: {  	[tilespmem:s18], [sflag:$0x1] =	stream.indirect.gather [hbm4b:s4+s19], $0x80, s29, s19, $0xb8;
	[tilespmem:$0x1E500] =	vst v63  }
0x6c: {  	s2 =	sadd.s32 s5, s2  }
0x6d: {  	[tilespmem:s20], [sflag:$0x3] =	stream.linear.gather [hbm4b:s2+s3], $0x80, $0x38;
	[tilespmem:$0x1E500] =	vst v63  }
0x6e: {  	_ =	swait.ge [sflag:s25], $0x4000  }
0x6f: {  	[sflag:s25] =	ssyncset.done $0x0  }
0x70: {  	[sflag:s25] =	ssyncadd.s32 $0xFFFFC000  }
0x71: {  	_ =	swait.ge [sflag:s26], $0x80  }
.Ltmp1:
0x72: {  	[sflag:s26] =	ssyncset.done $0x0;
	(pc) =	sbr.rel @p0 .LBB2_4-.Ltmp1, $4  }
0x73: {  	[sflag:s26] =	ssyncadd.s32 $0xFFFFFF80  }
0x74: {  	[spmem:s1] =	stream.indirect.scatter.add.f32 [tilespmem:s21], [sflag:$0x5], $0x80, s22, s19, $0xb8;
	[tilespmem:$0x1E500] =	vst v63  }
0x75: {  	_ =	swait.ge [sflag:s17], $0x4000  }
0x76: {  	s29 =	sadd.s32 $0x100, s29;
	[sflag:s17] =	ssyncset.done $0x0  }
0x77: {  	s0 =	sadd.s32 $0xFFFFFF80, s29;
	[sflag:s17] =	ssyncadd.s32 $0xFFFFC000  }
0x78: {  	[tilespmem:s21], [sflag:$0x2] =	stream.indirect.gather [hbm4b:s4+s19], $0x80, s0, s19, $0xb8;
	[tilespmem:$0x1E500] =	vst v63  }
0x79: {  	s6 =	sadd.s32 s31, s16  }
0x7a: {  	[tilespmem:s22], [sflag:$0x4] =	stream.linear.gather [hbm4b:s6+s3], $0x80, $0x38;
	[tilespmem:$0x1E500] =	vst v63  }
0x7b: {  	_ =	swait.ge [sflag:s23], $0x4000  }
0x7c: {  	[sflag:s23] =	ssyncset.done $0x0  }
0x7d: {  	[sflag:s23] =	ssyncadd.s32 $0xFFFFC000  }
0x7e: {  	_ =	swait.ge [sflag:s24], $0x80  }
0x7f: {  	[sflag:s24] =	ssyncset.done $0x0  }
0x80: {  	[sflag:s24] =	ssyncadd.s32 $0xFFFFFF80  }
0x81: {  	[spmem:s1] =	stream.indirect.scatter.add.f32 [tilespmem:s18], [sflag:$0x5], $0x80, s20, s19, $0xb8;
	[tilespmem:$0x1E500] =	vst v63  }
0x82: {  	_ =	swait.ge [sflag:s17], $0x4000  }
0x83: {  	s30 =	sadd.s32 $0x100, s30;
	[sflag:s17] =	ssyncset.done $0x0  }
0x84: {  	s0 =	sshrl.u32 s30, $0x3;
	[sflag:s17] =	ssyncadd.s32 $0xFFFFC000  }
0x85: {  	[tilespmem:s18], [sflag:$0x1] =	stream.indirect.gather [hbm4b:s4+s19], $0x80, s29, s19, $0xb8;
	[tilespmem:$0x1E500] =	vst v63  }
0x86: {  	s0 =	sadd.s32 s5, s0  }
0x87: {  	[tilespmem:s20], [sflag:$0x3] =	stream.linear.gather [hbm4b:s0+s3], $0x80, $0x38;
	[tilespmem:$0x1E500] =	vst v63  }
0x88: {  	_ =	swait.ge [sflag:s25], $0x4000  }
0x89: {  	[sflag:s25] =	ssyncset.done $0x0  }
0x8a: {  	[sflag:s25] =	ssyncadd.s32 $0xFFFFC000  }
0x8b: {  	_ =	swait.ge [sflag:s26], $0x80  }
0x8c: {  	[sflag:s26] =	ssyncset.done $0x0  }
0x8d: {  	[sflag:s26] =	ssyncadd.s32 $0xFFFFFF80  }
0x8e: {  	[spmem:s1] =	stream.indirect.scatter.add.f32 [tilespmem:s21], [sflag:$0x5], $0x80, s22, s19, $0xb8;
	[tilespmem:$0x1E500] =	vst v63  }
0x8f: {  	_ =	swait.ge [sflag:s17], $0x4000  }
0x90: {  	[sflag:s17] =	ssyncset.done $0x0  }
0x91: {  	[sflag:s17] =	ssyncadd.s32 $0xFFFFC000  }
0x92: {  	_ =	swait.ge [sflag:s23], $0x4000  }
0x93: {  	[sflag:s23] =	ssyncset.done $0x0  }
0x94: {  	[sflag:s23] =	ssyncadd.s32 $0xFFFFC000  }
0x95: {  	_ =	swait.ge [sflag:s24], $0x80  }
0x96: {  	[sflag:s24] =	ssyncset.done $0x0  }
0x97: {  	[sflag:s24] =	ssyncadd.s32 $0xFFFFFF80  }
0x98: {  	[spmem:s1] =	stream.indirect.scatter.add.f32 [tilespmem:s18], [sflag:$0x5], $0x80, s20, s19, $0xb8;
	[tilespmem:$0x1E500] =	vst v63  }
0x99: {  	s31 =	stileid.u32;
	_ =	swait.ge [sflag:s17], $0x4000  }
0x9a: {  	s2 =	sshrl.u32 s7, $0x3;
	s28 =	sadd.s32 $0x1, s28;
	[sflag:s17] =	ssyncset.done $0x0  }
0x9b: {  	p0 =	sne.s32 s28, s14;
	s0 =	sshll.u32 s31, $0x6;
	[sflag:s17] =	ssyncadd.s32 $0xFFFFC000  }
.Ltmp2:
0x9c: {  	s0 =	sor.u32 $0x1C05, s0;
	[bflag:$0x0] =	sbarrier.arrive $0xFFFF;
	(pc) =	sbr.rel @p0 .LBB2_1-.Ltmp2, $4  }
0x9d: {  	[hbm:s13], [sflag:s0] =	dma.local [spmem:s2], $0x2780  }
0x9e: {  	_ =	swait.ge [sflag:s17], $0x2780  }
0x9f: {  	[sflag:s17] =	ssyncset.done $0x0  }
0xa0: {  	[sflag:s17] =	ssyncadd.s32 $0xFFFFD880  }
0xa1: {  	_ =	sfence.sel $0x180000  }
0xa2: {  	[bflag:$0x0] =	sbarrier.arrive $0xFFFF  }
0xa3: {  	_ =	strace $0x90000047  }
0xa4: {  	s0 =	stileid.u32;
	[bflag:$0x2] =	sbarrier.arrive $0xFFFF  }
0xa5: {  	p0 =	sne.s32 s0, $0x0;
	s0 =	rddreg [dreg:$0x3]  }
0xa6: {  	s0 =	sadd.s32 @!p0 $0x100000, s0  }
0xa7: {  	[sflag:s0] =	ssyncadd.tile.s32 @!p0 $0x1;
	_ =	shalt  }
.Lfunc_end2:
_tile_overlayer_lowered:
.L_overlay_start_2:
0xa8: {  	(tag) =	ssettag $0x2  }
0xa9: {  	s0 =	rddreg [dreg:$0x0];
	s2 =	stileid.u32  }
0xaa: {  	s1 =	rddreg [dreg:$0x1];
	p0 =	sne.s32 s2, $0x0  }
0xab: {  	s3 =	rddreg [dreg:$0x2];
	[bflag:$0x3] =	sbarrier.arrive $0xFFFF;
	s2 =	simm.s32 @!p0 $0x1C05  }
0xac: {  	[timem:s3], [sflag:s2] =	dma.local @!p0 [hbm:s0], s1  }
0xad: {  	s0 =	simm.s32 @!p0 $0x5  }
0xae: {  	_ =	swait.ge @!p0 [sflag:s0], s1  }
0xaf: {  	s1 =	ssub.s32 @!p0 $0x0, s1;
	[sflag:s0] =	ssyncset.done @!p0 $0x0  }
0xb0: {  	[sflag:s0] =	ssyncadd.s32 @!p0 s1  }
0xb1: {  	[bflag:$0x3] =	sbarrier.arrive $0xFFFF  }
0xb2: {  	_ =	shalt  }

</sc_bundles>
